<compile_context>
chip_gen: v7x
topology: tpu7x:2x2x1
jax: 0.10.2.dev20260603
libtpu: 0.0.44.dev20260713+nightly
codegen_flags: <defaults>
</compile_context>

<pallas_src>
import functools

import jax
import jax.numpy as jnp
from jax import lax
from jax.experimental import pallas as pl
from jax.experimental.pallas import tpu as pltpu
from jax.experimental.pallas import tpu_sc as plsc

N = 10000
E = 320000
D = 128
DH = D // 2

NSUB = 16
EPT = E // NSUB
C = 125
NCH = EPT // C
NBUF = 4
RPT = 624
TAIL = N - NSUB * RPT



def _mm_body(x_ref, w_ref, h_ref):
    x = x_ref[...]
    for k in range(2):
        h_ref[k] = lax.dot_general(
            x, w_ref[pl.ds(k * DH, DH), :],
            (((1,), (1,)), ((), ())),
            preferred_element_type=jnp.float32,
        )


def _matmul(x, W):
    return pl.pallas_call(
        _mm_body,
        grid=(5,),
        in_specs=[
            pl.BlockSpec((N // 5, D), lambda i: (i, 0)),
            pl.BlockSpec((D, D), lambda i: (0, 0)),
        ],
        out_specs=pl.BlockSpec((2, N // 5, DH), lambda i: (0, i, 0)),
        out_shape=jax.ShapeDtypeStruct((2, N, DH), jnp.float32),
    )(x, W)



_mesh = plsc.VectorSubcoreMesh(core_axis_name="c", subcore_axis_name="s")


@functools.partial(
    pl.kernel,
    mesh=_mesh,
    compiler_params=pltpu.CompilerParams(use_tc_tiling_on_sc=False),
    out_type=jax.ShapeDtypeStruct((N, D), jnp.float32),
    scratch_types=[
        pltpu.VMEM((NCH, C), jnp.int32),
        pltpu.VMEM((NCH, C), jnp.int32),
        pltpu.VMEM((C, DH), jnp.float32),
        pltpu.VMEM((C, DH), jnp.float32),
        pltpu.VMEM((C, DH), jnp.float32),
        pltpu.VMEM((C, DH), jnp.float32),
        pltpu.VMEM_SHARED((N, DH), jnp.float32),
        pltpu.SemaphoreType.DMA,
        pltpu.SemaphoreType.DMA,
        pltpu.SemaphoreType.DMA,
        pltpu.SemaphoreType.DMA,
        pltpu.SemaphoreType.DMA,
        pltpu.SemaphoreType.DMA,
        pltpu.SemaphoreType.DMA,
        pltpu.SemaphoreType.DMA,
        pltpu.SemaphoreType.DMA,
        pltpu.SemaphoreType.DMA,
    ],
)
def _scatter_kernel(h_hbm, row_hbm, col_hbm, out_hbm,
                    rows_v, cols_v, g0, g1, g2, g3, acc,
                    gs0, gs1, gs2, gs3, ss0, ss1, ss2, ss3, is0, is1):
    c = lax.axis_index("c")
    s = lax.axis_index("s")
    base_r = s * RPT
    g = [g0, g1, g2, g3]
    gsem = [gs0, gs1, gs2, gs3]
    ssem = [ss0, ss1, ss2, ss3]

    icp0 = pltpu.async_copy(row_hbm.at[s], rows_v, is0)
    icp1 = pltpu.async_copy(col_hbm.at[s], cols_v, is1)

    def _zrow(i, carry):
        for t in range(DH // 16):
            g0[i, pl.ds(t * 16, 16)] = jnp.zeros((16,), jnp.float32)
        return carry
    lax.fori_loop(0, C, _zrow, 0)

    zcp = []
    for k in range(5):
        nr = 124 if k == 4 else 125
        zcp.append(pltpu.async_copy(
            g0.at[pl.ds(0, nr)],
            acc.at[pl.ds(base_r + k * 125, nr)],
            ssem[k % NBUF]))

    @pl.when(s == NSUB - 1)
    def _ztail():
        pltpu.async_copy(g[0].at[pl.ds(0, TAIL)],
                         acc.at[pl.ds(NSUB * RPT, TAIL)], ssem[0]).wait()

    for cp in zcp:
        cp.wait()
    icp0.wait()
    icp1.wait()

    plsc.subcore_barrier()

    for b in range(NBUF):
        pltpu.async_copy(h_hbm.at[c].at[cols_v.at[b]], g[b], gsem[b])

    def _group(grp, carry):
        j0 = grp * NBUF
        for b in range(NBUF):
            j = j0 + b
            pltpu.make_async_copy(h_hbm.at[c].at[cols_v.at[j]], g[b], gsem[b]).wait()
            pltpu.async_copy(g[b], acc.at[rows_v.at[j]], ssem[b], add=True)
        for b in range(NBUF):
            j = j0 + b
            nxt = j + NBUF

            @pl.when(nxt < NCH)
            def _refill():
                pltpu.make_async_copy(
                    g[b], acc.at[rows_v.at[j]], ssem[b]).wait()
                pltpu.async_copy(h_hbm.at[c].at[cols_v.at[nxt]], g[b], gsem[b])
        return carry
    lax.fori_loop(0, NCH // NBUF, _group, 0)

    for b in range(NBUF):
        j = NCH - NBUF + b
        pltpu.make_async_copy(g[b], acc.at[rows_v.at[j]], ssem[b]).wait()

    plsc.subcore_barrier()

    pltpu.sync_copy(acc.at[pl.ds(base_r, RPT)],
                    out_hbm.at[pl.ds(base_r, RPT), pl.ds(c * DH, DH)])

    @pl.when(s == NSUB - 1)
    def _wtail():
        pltpu.sync_copy(acc.at[pl.ds(NSUB * RPT, TAIL)],
                        out_hbm.at[pl.ds(NSUB * RPT, TAIL), pl.ds(c * DH, DH)])


def kernel(x, edge_index, W):
    h2 = _matmul(x, W)
    row3d = edge_index[0].reshape(NSUB, NCH, C)
    col3d = edge_index[1].reshape(NSUB, NCH, C)
    return _scatter_kernel(h2, row3d, col3d)

# --- scband reference (transcript-rebuilt; emitter-appended) ---
"""Pipeline reference for scband-vanilla-gnnlayer-5600637354090 (READ-ONLY COPY).

The authoritative reference and input builder live on the scoring server;
editing this copy changes nothing except your own understanding.
"""

import jax, jax.numpy as jnp
import numpy as np

N = 10000
E = 320000
D_IN = 128
D_OUT = 128


def setup_inputs(seed: int = 0) -> dict:
    key = jax.random.key(seed)
    k1, k2, k3 = jax.random.split(key, 3)
    x = jax.random.normal(k1, (N, D_IN), dtype=jnp.float32)
    edge_index = jax.random.randint(k2, (2, E), 0, N, dtype=jnp.int32)
    # Linear weight, torch convention: [out_features, in_features], no bias
    W = jax.random.normal(k3, (D_OUT, D_IN), dtype=jnp.float32) * (1.0 / np.sqrt(D_IN))
    return {"x": x, "edge_index": edge_index, "W": W}


def reference(x, edge_index, W):
    # h = self.linear(x)  (Linear without bias: x @ W.T)
    h = x @ W.T
    # torch.sparse.mm(adjacency, h) with binary COO adjacency given by
    # edge_index = [rows; cols]: out[row] += h[col]  (scatter-add over rows)
    row = edge_index[0]
    col = edge_index[1]
    out = jnp.zeros((N, D_OUT), dtype=h.dtype).at[row].add(h[col])
    return out

if __name__ == "__main__":
    import jax
    _d = setup_inputs()
    print(jax.jit(kernel)(*tuple(_d.values())))

</pallas_src>

<mosaic_0001>
#map = affine_map<(d0, d1) -> (0, 0, 0)>
#map1 = affine_map<(d0, d1) -> (0, 0)>
module attributes {stable_mosaic.version = 14 : i64} {
  func.func @_scatter_kernel(%arg0: i32, %arg1: i32, %arg2: memref<2x10000x64xf32, #tpu.memory_space<hbm>>, %arg3: memref<16x160x125xi32, #tpu.memory_space<hbm>>, %arg4: memref<16x160x125xi32, #tpu.memory_space<hbm>>, %arg5: memref<10000x128xf32, #tpu.memory_space<hbm>>, %arg6: memref<160x125xi32, #tpu.memory_space<vmem>>, %arg7: memref<160x125xi32, #tpu.memory_space<vmem>>, %arg8: memref<125x64xf32, #tpu.memory_space<vmem>>, %arg9: memref<125x64xf32, #tpu.memory_space<vmem>>, %arg10: memref<125x64xf32, #tpu.memory_space<vmem>>, %arg11: memref<125x64xf32, #tpu.memory_space<vmem>>, %arg12: memref<10000x64xf32, #tpu.memory_space<vmem_shared>>, %arg13: memref<!tpu.dma_semaphore, #tpu.memory_space<semaphore_mem>>, %arg14: memref<!tpu.dma_semaphore, #tpu.memory_space<semaphore_mem>>, %arg15: memref<!tpu.dma_semaphore, #tpu.memory_space<semaphore_mem>>, %arg16: memref<!tpu.dma_semaphore, #tpu.memory_space<semaphore_mem>>, %arg17: memref<!tpu.dma_semaphore, #tpu.memory_space<semaphore_mem>>, %arg18: memref<!tpu.dma_semaphore, #tpu.memory_space<semaphore_mem>>, %arg19: memref<!tpu.dma_semaphore, #tpu.memory_space<semaphore_mem>>, %arg20: memref<!tpu.dma_semaphore, #tpu.memory_space<semaphore_mem>>, %arg21: memref<!tpu.dma_semaphore, #tpu.memory_space<semaphore_mem>>, %arg22: memref<!tpu.dma_semaphore, #tpu.memory_space<semaphore_mem>>) attributes {dimension_semantics = [#tpu.dimension_semantics<core_parallel>, #tpu.dimension_semantics<subcore_parallel>], iteration_bounds = array<i64: 2, 16>, scalar_prefetch = 0 : i64, scratch_operands = 17 : i64, tpu.core_type = #tpu.core_type<sc_vector_subcore>, window_params = [{transform_indices = #map}, {transform_indices = #map}, {transform_indices = #map}, {transform_indices = #map1}]} {
    %mul3A = arith.constant 624 : i32
    %mul3A_0 = arith.muli %arg1, %mul3A : i32
    %dma_start3A = arith.constant 0 : i32
    %dma_start3A_1 = arith.constant 0 : i32
    %dma_start3A_2 = tpu.memref_slice %arg3[%arg1, %dma_start3A, %dma_start3A_1] : memref<16x160x125xi32, #tpu.memory_space<hbm>> -> memref<1x160x125xi32, #tpu.memory_space<hbm>>
    %dma_start3A_3 = tpu.memref_squeeze %dma_start3A_2 : memref<1x160x125xi32, #tpu.memory_space<hbm>> -> memref<160x125xi32, #tpu.memory_space<hbm>>
    %dma_start3A_4 = arith.constant 0 : i32
    %dma_start3A_5 = arith.constant 0 : i32
    %dma_start3A_6 = tpu.memref_slice %arg3[%arg1, %dma_start3A_4, %dma_start3A_5] : memref<16x160x125xi32, #tpu.memory_space<hbm>> -> memref<1x160x125xi32, #tpu.memory_space<hbm>>
    %dma_start3A_7 = tpu.memref_squeeze %dma_start3A_6 : memref<1x160x125xi32, #tpu.memory_space<hbm>> -> memref<160x125xi32, #tpu.memory_space<hbm>>
    tpu.enqueue_dma source(%dma_start3A_7 : memref<160x125xi32, #tpu.memory_space<hbm>>) target(%arg6 : memref<160x125xi32, #tpu.memory_space<vmem>>) target_semaphore(%arg21 : memref<!tpu.dma_semaphore, #tpu.memory_space<semaphore_mem>>)
    %dma_start3A_8 = arith.constant 0 : i32
    %dma_start3A_9 = arith.constant 0 : i32
    %dma_start3A_10 = tpu.memref_slice %arg4[%arg1, %dma_start3A_8, %dma_start3A_9] : memref<16x160x125xi32, #tpu.memory_space<hbm>> -> memref<1x160x125xi32, #tpu.memory_space<hbm>>
    %dma_start3A_11 = tpu.memref_squeeze %dma_start3A_10 : memref<1x160x125xi32, #tpu.memory_space<hbm>> -> memref<160x125xi32, #tpu.memory_space<hbm>>
    %dma_start3A_12 = arith.constant 0 : i32
    %dma_start3A_13 = arith.constant 0 : i32
    %dma_start3A_14 = tpu.memref_slice %arg4[%arg1, %dma_start3A_12, %dma_start3A_13] : memref<16x160x125xi32, #tpu.memory_space<hbm>> -> memref<1x160x125xi32, #tpu.memory_space<hbm>>
    %dma_start3A_15 = tpu.memref_squeeze %dma_start3A_14 : memref<1x160x125xi32, #tpu.memory_space<hbm>> -> memref<160x125xi32, #tpu.memory_space<hbm>>
    tpu.enqueue_dma source(%dma_start3A_15 : memref<160x125xi32, #tpu.memory_space<hbm>>) target(%arg7 : memref<160x125xi32, #tpu.memory_space<vmem>>) target_semaphore(%arg22 : memref<!tpu.dma_semaphore, #tpu.memory_space<semaphore_mem>>)
    %scan3A = arith.constant 0 : i32
    %scan3A_16 = arith.constant 0 : i32
    %scan3A_17 = arith.constant 125 : i32
    %scan3A_18 = arith.addi %scan3A_16, %scan3A_17 : i32
    %scan3A_19 = arith.constant 1 : i32
    scf.for %scan3A_233 = %scan3A_16 to %scan3A_18 step %scan3A_19  : i32 {
      %broadcast_in_dim3A = arith.constant 0.000000e+00 : f32
      %broadcast_in_dim3A_234 = vector.broadcast %broadcast_in_dim3A : f32 to vector<16xf32>
      %swap3A = arith.index_cast %scan3A_233 : i32 to index
      %swap3A_235 = arith.constant 0 : index
      %swap3A_236 = tpu.vector_load %arg8[%swap3A, %swap3A_235] {strides = array<i32>} : memref<125x64xf32, #tpu.memory_space<vmem>>, vector<1x16xf32>,
      %swap3A_237 = vector.shape_cast %swap3A_236 : vector<1x16xf32> to vector<16xf32>
      %swap3A_238 = vector.shape_cast %broadcast_in_dim3A_234 : vector<16xf32> to vector<1x16xf32>
      tpu.vector_store %arg8[%swap3A, %swap3A_235], %swap3A_238 {strides = array<i32>} : memref<125x64xf32, #tpu.memory_space<vmem>>, vector<1x16xf32>,
      %broadcast_in_dim3A_239 = arith.constant 0.000000e+00 : f32
      %broadcast_in_dim3A_240 = vector.broadcast %broadcast_in_dim3A_239 : f32 to vector<16xf32>
      %swap3A_241 = arith.index_cast %scan3A_233 : i32 to index
      %swap3A_242 = arith.constant 16 : index
      %swap3A_243 = tpu.vector_load %arg8[%swap3A_241, %swap3A_242] {strides = array<i32>} : memref<125x64xf32, #tpu.memory_space<vmem>>, vector<1x16xf32>,
      %swap3A_244 = vector.shape_cast %swap3A_243 : vector<1x16xf32> to vector<16xf32>
      %swap3A_245 = vector.shape_cast %broadcast_in_dim3A_240 : vector<16xf32> to vector<1x16xf32>
      tpu.vector_store %arg8[%swap3A_241, %swap3A_242], %swap3A_245 {strides = array<i32>} : memref<125x64xf32, #tpu.memory_space<vmem>>, vector<1x16xf32>,
      %broadcast_in_dim3A_246 = arith.constant 0.000000e+00 : f32
      %broadcast_in_dim3A_247 = vector.broadcast %broadcast_in_dim3A_246 : f32 to vector<16xf32>
      %swap3A_248 = arith.index_cast %scan3A_233 : i32 to index
      %swap3A_249 = arith.constant 32 : index
      %swap3A_250 = tpu.vector_load %arg8[%swap3A_248, %swap3A_249] {strides = array<i32>} : memref<125x64xf32, #tpu.memory_space<vmem>>, vector<1x16xf32>,
      %swap3A_251 = vector.shape_cast %swap3A_250 : vector<1x16xf32> to vector<16xf32>
      %swap3A_252 = vector.shape_cast %broadcast_in_dim3A_247 : vector<16xf32> to vector<1x16xf32>
      tpu.vector_store %arg8[%swap3A_248, %swap3A_249], %swap3A_252 {strides = array<i32>} : memref<125x64xf32, #tpu.memory_space<vmem>>, vector<1x16xf32>,
      %broadcast_in_dim3A_253 = arith.constant 0.000000e+00 : f32
      %broadcast_in_dim3A_254 = vector.broadcast %broadcast_in_dim3A_253 : f32 to vector<16xf32>
      %swap3A_255 = arith.index_cast %scan3A_233 : i32 to index
      %swap3A_256 = arith.constant 48 : index
      %swap3A_257 = tpu.vector_load %arg8[%swap3A_255, %swap3A_256] {strides = array<i32>} : memref<125x64xf32, #tpu.memory_space<vmem>>, vector<1x16xf32>,
      %swap3A_258 = vector.shape_cast %swap3A_257 : vector<1x16xf32> to vector<16xf32>
      %swap3A_259 = vector.shape_cast %broadcast_in_dim3A_254 : vector<16xf32> to vector<1x16xf32>
      tpu.vector_store %arg8[%swap3A_255, %swap3A_256], %swap3A_259 {strides = array<i32>} : memref<125x64xf32, #tpu.memory_space<vmem>>, vector<1x16xf32>,
    }
    %scan3A_20 = arith.constant 125 : i32
    %add3A = arith.constant 0 : i32
    %add3A_21 = arith.addi %mul3A_0, %add3A : i32
    %dma_start3A_22 = arith.constant 0 : i32
    %dma_start3A_23 = arith.constant 0 : i32
    %dma_start3A_24 = tpu.memref_slice %arg8[%dma_start3A_22, %dma_start3A_23] : memref<125x64xf32, #tpu.memory_space<vmem>> -> memref<125x64xf32, #tpu.memory_space<vmem>>
    %dma_start3A_25 = arith.constant 0 : i32
    %dma_start3A_26 = tpu.memref_slice %arg12[%add3A_21, %dma_start3A_25] : memref<10000x64xf32, #tpu.memory_space<vmem_shared>> -> memref<125x64xf32, #tpu.memory_space<vmem_shared>>
    %dma_start3A_27 = arith.constant 0 : i32
    %dma_start3A_28 = tpu.memref_slice %arg12[%add3A_21, %dma_start3A_27] : memref<10000x64xf32, #tpu.memory_space<vmem_shared>> -> memref<125x64xf32, #tpu.memory_space<vmem_shared>>
    %dma_start3A_29 = arith.constant 0 : i32
    %dma_start3A_30 = arith.constant 0 : i32
    %dma_start3A_31 = tpu.memref_slice %arg8[%dma_start3A_29, %dma_start3A_30] : memref<125x64xf32, #tpu.memory_space<vmem>> -> memref<125x64xf32, #tpu.memory_space<vmem>>
    tpu.enqueue_dma source(%dma_start3A_31 : memref<125x64xf32, #tpu.memory_space<vmem>>) target(%dma_start3A_28 : memref<125x64xf32, #tpu.memory_space<vmem_shared>>) target_semaphore(%arg17 : memref<!tpu.dma_semaphore, #tpu.memory_space<semaphore_mem>>)
    %add3A_32 = arith.constant 125 : i32
    %add3A_33 = arith.addi %mul3A_0, %add3A_32 : i32
    %dma_start3A_34 = arith.constant 0 : i32
    %dma_start3A_35 = arith.constant 0 : i32
    %dma_start3A_36 = tpu.memref_slice %arg8[%dma_start3A_34, %dma_start3A_35] : memref<125x64xf32, #tpu.memory_space<vmem>> -> memref<125x64xf32, #tpu.memory_space<vmem>>
    %dma_start3A_37 = arith.constant 0 : i32
    %dma_start3A_38 = tpu.memref_slice %arg12[%add3A_33, %dma_start3A_37] : memref<10000x64xf32, #tpu.memory_space<vmem_shared>> -> memref<125x64xf32, #tpu.memory_space<vmem_shared>>
    %dma_start3A_39 = arith.constant 0 : i32
    %dma_start3A_40 = tpu.memref_slice %arg12[%add3A_33, %dma_start3A_39] : memref<10000x64xf32, #tpu.memory_space<vmem_shared>> -> memref<125x64xf32, #tpu.memory_space<vmem_shared>>
    %dma_start3A_41 = arith.constant 0 : i32
    %dma_start3A_42 = arith.constant 0 : i32
    %dma_start3A_43 = tpu.memref_slice %arg8[%dma_start3A_41, %dma_start3A_42] : memref<125x64xf32, #tpu.memory_space<vmem>> -> memref<125x64xf32, #tpu.memory_space<vmem>>
    tpu.enqueue_dma source(%dma_start3A_43 : memref<125x64xf32, #tpu.memory_space<vmem>>) target(%dma_start3A_40 : memref<125x64xf32, #tpu.memory_space<vmem_shared>>) target_semaphore(%arg18 : memref<!tpu.dma_semaphore, #tpu.memory_space<semaphore_mem>>)
    %add3A_44 = arith.constant 250 : i32
    %add3A_45 = arith.addi %mul3A_0, %add3A_44 : i32
    %dma_start3A_46 = arith.constant 0 : i32
    %dma_start3A_47 = arith.constant 0 : i32
    %dma_start3A_48 = tpu.memref_slice %arg8[%dma_start3A_46, %dma_start3A_47] : memref<125x64xf32, #tpu.memory_space<vmem>> -> memref<125x64xf32, #tpu.memory_space<vmem>>
    %dma_start3A_49 = arith.constant 0 : i32
    %dma_start3A_50 = tpu.memref_slice %arg12[%add3A_45, %dma_start3A_49] : memref<10000x64xf32, #tpu.memory_space<vmem_shared>> -> memref<125x64xf32, #tpu.memory_space<vmem_shared>>
    %dma_start3A_51 = arith.constant 0 : i32
    %dma_start3A_52 = tpu.memref_slice %arg12[%add3A_45, %dma_start3A_51] : memref<10000x64xf32, #tpu.memory_space<vmem_shared>> -> memref<125x64xf32, #tpu.memory_space<vmem_shared>>
    %dma_start3A_53 = arith.constant 0 : i32
    %dma_start3A_54 = arith.constant 0 : i32
    %dma_start3A_55 = tpu.memref_slice %arg8[%dma_start3A_53, %dma_start3A_54] : memref<125x64xf32, #tpu.memory_space<vmem>> -> memref<125x64xf32, #tpu.memory_space<vmem>>
    tpu.enqueue_dma source(%dma_start3A_55 : memref<125x64xf32, #tpu.memory_space<vmem>>) target(%dma_start3A_52 : memref<125x64xf32, #tpu.memory_space<vmem_shared>>) target_semaphore(%arg19 : memref<!tpu.dma_semaphore, #tpu.memory_space<semaphore_mem>>)
    %add3A_56 = arith.constant 375 : i32
    %add3A_57 = arith.addi %mul3A_0, %add3A_56 : i32
    %dma_start3A_58 = arith.constant 0 : i32
    %dma_start3A_59 = arith.constant 0 : i32
    %dma_start3A_60 = tpu.memref_slice %arg8[%dma_start3A_58, %dma_start3A_59] : memref<125x64xf32, #tpu.memory_space<vmem>> -> memref<125x64xf32, #tpu.memory_space<vmem>>
    %dma_start3A_61 = arith.constant 0 : i32
    %dma_start3A_62 = tpu.memref_slice %arg12[%add3A_57, %dma_start3A_61] : memref<10000x64xf32, #tpu.memory_space<vmem_shared>> -> memref<125x64xf32, #tpu.memory_space<vmem_shared>>
    %dma_start3A_63 = arith.constant 0 : i32
    %dma_start3A_64 = tpu.memref_slice %arg12[%add3A_57, %dma_start3A_63] : memref<10000x64xf32, #tpu.memory_space<vmem_shared>> -> memref<125x64xf32, #tpu.memory_space<vmem_shared>>
    %dma_start3A_65 = arith.constant 0 : i32
    %dma_start3A_66 = arith.constant 0 : i32
    %dma_start3A_67 = tpu.memref_slice %arg8[%dma_start3A_65, %dma_start3A_66] : memref<125x64xf32, #tpu.memory_space<vmem>> -> memref<125x64xf32, #tpu.memory_space<vmem>>
    tpu.enqueue_dma source(%dma_start3A_67 : memref<125x64xf32, #tpu.memory_space<vmem>>) target(%dma_start3A_64 : memref<125x64xf32, #tpu.memory_space<vmem_shared>>) target_semaphore(%arg20 : memref<!tpu.dma_semaphore, #tpu.memory_space<semaphore_mem>>)
    %add3A_68 = arith.constant 500 : i32
    %add3A_69 = arith.addi %mul3A_0, %add3A_68 : i32
    %dma_start3A_70 = arith.constant 0 : i32
    %dma_start3A_71 = arith.constant 0 : i32
    %dma_start3A_72 = tpu.memref_slice %arg8[%dma_start3A_70, %dma_start3A_71] : memref<125x64xf32, #tpu.memory_space<vmem>> -> memref<124x64xf32, #tpu.memory_space<vmem>>
    %dma_start3A_73 = arith.constant 0 : i32
    %dma_start3A_74 = tpu.memref_slice %arg12[%add3A_69, %dma_start3A_73] : memref<10000x64xf32, #tpu.memory_space<vmem_shared>> -> memref<124x64xf32, #tpu.memory_space<vmem_shared>>
    %dma_start3A_75 = arith.constant 0 : i32
    %dma_start3A_76 = tpu.memref_slice %arg12[%add3A_69, %dma_start3A_75] : memref<10000x64xf32, #tpu.memory_space<vmem_shared>> -> memref<124x64xf32, #tpu.memory_space<vmem_shared>>
    %dma_start3A_77 = arith.constant 0 : i32
    %dma_start3A_78 = arith.constant 0 : i32
    %dma_start3A_79 = tpu.memref_slice %arg8[%dma_start3A_77, %dma_start3A_78] : memref<125x64xf32, #tpu.memory_space<vmem>> -> memref<124x64xf32, #tpu.memory_space<vmem>>
    tpu.enqueue_dma source(%dma_start3A_79 : memref<124x64xf32, #tpu.memory_space<vmem>>) target(%dma_start3A_76 : memref<124x64xf32, #tpu.memory_space<vmem_shared>>) target_semaphore(%arg17 : memref<!tpu.dma_semaphore, #tpu.memory_space<semaphore_mem>>)
    %eq3A = arith.constant 15 : i32
    %eq3A_80 = arith.cmpi eq, %arg1, %eq3A : i32
    %convert_element_type3A = arith.extui %eq3A_80 : i1 to i32
    %cond3A = arith.constant 0 : i32
    %cond3A_81 = arith.cmpi ne, %convert_element_type3A, %cond3A : i32
    scf.if %cond3A_81 {
      %dma_start3A_233 = arith.constant 0 : i32
      %dma_start3A_234 = arith.constant 0 : i32
      %dma_start3A_235 = tpu.memref_slice %arg8[%dma_start3A_233, %dma_start3A_234] : memref<125x64xf32, #tpu.memory_space<vmem>> -> memref<16x64xf32, #tpu.memory_space<vmem>>
      %dma_start3A_236 = arith.constant 9984 : i32
      %dma_start3A_237 = arith.constant 0 : i32
      %dma_start3A_238 = tpu.memref_slice %arg12[%dma_start3A_236, %dma_start3A_237] : memref<10000x64xf32, #tpu.memory_space<vmem_shared>> -> memref<16x64xf32, #tpu.memory_space<vmem_shared>>
      %dma_start3A_239 = arith.constant 9984 : i32
      %dma_start3A_240 = arith.constant 0 : i32
      %dma_start3A_241 = tpu.memref_slice %arg12[%dma_start3A_239, %dma_start3A_240] : memref<10000x64xf32, #tpu.memory_space<vmem_shared>> -> memref<16x64xf32, #tpu.memory_space<vmem_shared>>
      %dma_start3A_242 = arith.constant 0 : i32
      %dma_start3A_243 = arith.constant 0 : i32
      %dma_start3A_244 = tpu.memref_slice %arg8[%dma_start3A_242, %dma_start3A_243] : memref<125x64xf32, #tpu.memory_space<vmem>> -> memref<16x64xf32, #tpu.memory_space<vmem>>
      tpu.enqueue_dma source(%dma_start3A_244 : memref<16x64xf32, #tpu.memory_space<vmem>>) target(%dma_start3A_241 : memref<16x64xf32, #tpu.memory_space<vmem_shared>>) target_semaphore(%arg17 : memref<!tpu.dma_semaphore, #tpu.memory_space<semaphore_mem>>)
      %dma_wait3A_245 = arith.constant 0 : i32
      %dma_wait3A_246 = arith.constant 0 : i32
      %dma_wait3A_247 = tpu.memref_slice %arg8[%dma_wait3A_245, %dma_wait3A_246] : memref<125x64xf32, #tpu.memory_space<vmem>> -> memref<16x64xf32, #tpu.memory_space<vmem>>
      %dma_wait3A_248 = arith.constant 9984 : i32
      %dma_wait3A_249 = arith.constant 0 : i32
      %dma_wait3A_250 = tpu.memref_slice %arg12[%dma_wait3A_248, %dma_wait3A_249] : memref<10000x64xf32, #tpu.memory_space<vmem_shared>> -> memref<16x64xf32, #tpu.memory_space<vmem_shared>>
      %dma_wait3A_251 = arith.constant 9984 : i32
      %dma_wait3A_252 = arith.constant 0 : i32
      %dma_wait3A_253 = tpu.memref_slice %arg12[%dma_wait3A_251, %dma_wait3A_252] : memref<10000x64xf32, #tpu.memory_space<vmem_shared>> -> memref<16x64xf32, #tpu.memory_space<vmem_shared>>
      %dma_wait3A_254 = arith.constant 0 : i32
      %dma_wait3A_255 = arith.constant 0 : i32
      %dma_wait3A_256 = tpu.memref_slice %arg8[%dma_wait3A_254, %dma_wait3A_255] : memref<125x64xf32, #tpu.memory_space<vmem>> -> memref<16x64xf32, #tpu.memory_space<vmem>>
      tpu.wait_dma2 semaphore(%arg17 : memref<!tpu.dma_semaphore, #tpu.memory_space<semaphore_mem>>) src(%dma_wait3A_256 : memref<16x64xf32, #tpu.memory_space<vmem>>) dst(%dma_wait3A_253 : memref<16x64xf32, #tpu.memory_space<vmem_shared>>)
    } else {
    }
    %dma_wait3A = arith.constant 0 : i32
    %dma_wait3A_82 = arith.constant 0 : i32
    %dma_wait3A_83 = tpu.memref_slice %arg8[%dma_wait3A, %dma_wait3A_82] : memref<125x64xf32, #tpu.memory_space<vmem>> -> memref<125x64xf32, #tpu.memory_space<vmem>>
    %dma_wait3A_84 = arith.constant 0 : i32
    %dma_wait3A_85 = tpu.memref_slice %arg12[%add3A_21, %dma_wait3A_84] : memref<10000x64xf32, #tpu.memory_space<vmem_shared>> -> memref<125x64xf32, #tpu.memory_space<vmem_shared>>
    %dma_wait3A_86 = arith.constant 0 : i32
    %dma_wait3A_87 = tpu.memref_slice %arg12[%add3A_21, %dma_wait3A_86] : memref<10000x64xf32, #tpu.memory_space<vmem_shared>> -> memref<125x64xf32, #tpu.memory_space<vmem_shared>>
    %dma_wait3A_88 = arith.constant 0 : i32
    %dma_wait3A_89 = arith.constant 0 : i32
    %dma_wait3A_90 = tpu.memref_slice %arg8[%dma_wait3A_88, %dma_wait3A_89] : memref<125x64xf32, #tpu.memory_space<vmem>> -> memref<125x64xf32, #tpu.memory_space<vmem>>
    tpu.wait_dma2 semaphore(%arg17 : memref<!tpu.dma_semaphore, #tpu.memory_space<semaphore_mem>>) src(%dma_wait3A_90 : memref<125x64xf32, #tpu.memory_space<vmem>>) dst(%dma_wait3A_87 : memref<125x64xf32, #tpu.memory_space<vmem_shared>>)
    %dma_wait3A_91 = arith.constant 0 : i32
    %dma_wait3A_92 = arith.constant 0 : i32
    %dma_wait3A_93 = tpu.memref_slice %arg8[%dma_wait3A_91, %dma_wait3A_92] : memref<125x64xf32, #tpu.memory_space<vmem>> -> memref<125x64xf32, #tpu.memory_space<vmem>>
    %dma_wait3A_94 = arith.constant 0 : i32
    %dma_wait3A_95 = tpu.memref_slice %arg12[%add3A_33, %dma_wait3A_94] : memref<10000x64xf32, #tpu.memory_space<vmem_shared>> -> memref<125x64xf32, #tpu.memory_space<vmem_shared>>
    %dma_wait3A_96 = arith.constant 0 : i32
    %dma_wait3A_97 = tpu.memref_slice %arg12[%add3A_33, %dma_wait3A_96] : memref<10000x64xf32, #tpu.memory_space<vmem_shared>> -> memref<125x64xf32, #tpu.memory_space<vmem_shared>>
    %dma_wait3A_98 = arith.constant 0 : i32
    %dma_wait3A_99 = arith.constant 0 : i32
    %dma_wait3A_100 = tpu.memref_slice %arg8[%dma_wait3A_98, %dma_wait3A_99] : memref<125x64xf32, #tpu.memory_space<vmem>> -> memref<125x64xf32, #tpu.memory_space<vmem>>
    tpu.wait_dma2 semaphore(%arg18 : memref<!tpu.dma_semaphore, #tpu.memory_space<semaphore_mem>>) src(%dma_wait3A_100 : memref<125x64xf32, #tpu.memory_space<vmem>>) dst(%dma_wait3A_97 : memref<125x64xf32, #tpu.memory_space<vmem_shared>>)
    %dma_wait3A_101 = arith.constant 0 : i32
    %dma_wait3A_102 = arith.constant 0 : i32
    %dma_wait3A_103 = tpu.memref_slice %arg8[%dma_wait3A_101, %dma_wait3A_102] : memref<125x64xf32, #tpu.memory_space<vmem>> -> memref<125x64xf32, #tpu.memory_space<vmem>>
    %dma_wait3A_104 = arith.constant 0 : i32
    %dma_wait3A_105 = tpu.memref_slice %arg12[%add3A_45, %dma_wait3A_104] : memref<10000x64xf32, #tpu.memory_space<vmem_shared>> -> memref<125x64xf32, #tpu.memory_space<vmem_shared>>
    %dma_wait3A_106 = arith.constant 0 : i32
    %dma_wait3A_107 = tpu.memref_slice %arg12[%add3A_45, %dma_wait3A_106] : memref<10000x64xf32, #tpu.memory_space<vmem_shared>> -> memref<125x64xf32, #tpu.memory_space<vmem_shared>>
    %dma_wait3A_108 = arith.constant 0 : i32
    %dma_wait3A_109 = arith.constant 0 : i32
    %dma_wait3A_110 = tpu.memref_slice %arg8[%dma_wait3A_108, %dma_wait3A_109] : memref<125x64xf32, #tpu.memory_space<vmem>> -> memref<125x64xf32, #tpu.memory_space<vmem>>
    tpu.wait_dma2 semaphore(%arg19 : memref<!tpu.dma_semaphore, #tpu.memory_space<semaphore_mem>>) src(%dma_wait3A_110 : memref<125x64xf32, #tpu.memory_space<vmem>>) dst(%dma_wait3A_107 : memref<125x64xf32, #tpu.memory_space<vmem_shared>>)
    %dma_wait3A_111 = arith.constant 0 : i32
    %dma_wait3A_112 = arith.constant 0 : i32
    %dma_wait3A_113 = tpu.memref_slice %arg8[%dma_wait3A_111, %dma_wait3A_112] : memref<125x64xf32, #tpu.memory_space<vmem>> -> memref<125x64xf32, #tpu.memory_space<vmem>>
    %dma_wait3A_114 = arith.constant 0 : i32
    %dma_wait3A_115 = tpu.memref_slice %arg12[%add3A_57, %dma_wait3A_114] : memref<10000x64xf32, #tpu.memory_space<vmem_shared>> -> memref<125x64xf32, #tpu.memory_space<vmem_shared>>
    %dma_wait3A_116 = arith.constant 0 : i32
    %dma_wait3A_117 = tpu.memref_slice %arg12[%add3A_57, %dma_wait3A_116] : memref<10000x64xf32, #tpu.memory_space<vmem_shared>> -> memref<125x64xf32, #tpu.memory_space<vmem_shared>>
    %dma_wait3A_118 = arith.constant 0 : i32
    %dma_wait3A_119 = arith.constant 0 : i32
    %dma_wait3A_120 = tpu.memref_slice %arg8[%dma_wait3A_118, %dma_wait3A_119] : memref<125x64xf32, #tpu.memory_space<vmem>> -> memref<125x64xf32, #tpu.memory_space<vmem>>
    tpu.wait_dma2 semaphore(%arg20 : memref<!tpu.dma_semaphore, #tpu.memory_space<semaphore_mem>>) src(%dma_wait3A_120 : memref<125x64xf32, #tpu.memory_space<vmem>>) dst(%dma_wait3A_117 : memref<125x64xf32, #tpu.memory_space<vmem_shared>>)
    %dma_wait3A_121 = arith.constant 0 : i32
    %dma_wait3A_122 = arith.constant 0 : i32
    %dma_wait3A_123 = tpu.memref_slice %arg8[%dma_wait3A_121, %dma_wait3A_122] : memref<125x64xf32, #tpu.memory_space<vmem>> -> memref<124x64xf32, #tpu.memory_space<vmem>>
    %dma_wait3A_124 = arith.constant 0 : i32
    %dma_wait3A_125 = tpu.memref_slice %arg12[%add3A_69, %dma_wait3A_124] : memref<10000x64xf32, #tpu.memory_space<vmem_shared>> -> memref<124x64xf32, #tpu.memory_space<vmem_shared>>
    %dma_wait3A_126 = arith.constant 0 : i32
    %dma_wait3A_127 = tpu.memref_slice %arg12[%add3A_69, %dma_wait3A_126] : memref<10000x64xf32, #tpu.memory_space<vmem_shared>> -> memref<124x64xf32, #tpu.memory_space<vmem_shared>>
    %dma_wait3A_128 = arith.constant 0 : i32
    %dma_wait3A_129 = arith.constant 0 : i32
    %dma_wait3A_130 = tpu.memref_slice %arg8[%dma_wait3A_128, %dma_wait3A_129] : memref<125x64xf32, #tpu.memory_space<vmem>> -> memref<124x64xf32, #tpu.memory_space<vmem>>
    tpu.wait_dma2 semaphore(%arg17 : memref<!tpu.dma_semaphore, #tpu.memory_space<semaphore_mem>>) src(%dma_wait3A_130 : memref<124x64xf32, #tpu.memory_space<vmem>>) dst(%dma_wait3A_127 : memref<124x64xf32, #tpu.memory_space<vmem_shared>>)
    %dma_wait3A_131 = arith.constant 0 : i32
    %dma_wait3A_132 = arith.constant 0 : i32
    %dma_wait3A_133 = tpu.memref_slice %arg3[%arg1, %dma_wait3A_131, %dma_wait3A_132] : memref<16x160x125xi32, #tpu.memory_space<hbm>> -> memref<1x160x125xi32, #tpu.memory_space<hbm>>
    %dma_wait3A_134 = tpu.memref_squeeze %dma_wait3A_133 : memref<1x160x125xi32, #tpu.memory_space<hbm>> -> memref<160x125xi32, #tpu.memory_space<hbm>>
    %dma_wait3A_135 = arith.constant 0 : i32
    %dma_wait3A_136 = arith.constant 0 : i32
    %dma_wait3A_137 = tpu.memref_slice %arg3[%arg1, %dma_wait3A_135, %dma_wait3A_136] : memref<16x160x125xi32, #tpu.memory_space<hbm>> -> memref<1x160x125xi32, #tpu.memory_space<hbm>>
    %dma_wait3A_138 = tpu.memref_squeeze %dma_wait3A_137 : memref<1x160x125xi32, #tpu.memory_space<hbm>> -> memref<160x125xi32, #tpu.memory_space<hbm>>
    tpu.wait_dma2 semaphore(%arg21 : memref<!tpu.dma_semaphore, #tpu.memory_space<semaphore_mem>>) src(%dma_wait3A_138 : memref<160x125xi32, #tpu.memory_space<hbm>>) dst(%arg6 : memref<160x125xi32, #tpu.memory_space<vmem>>)
    %dma_wait3A_139 = arith.constant 0 : i32
    %dma_wait3A_140 = arith.constant 0 : i32
    %dma_wait3A_141 = tpu.memref_slice %arg4[%arg1, %dma_wait3A_139, %dma_wait3A_140] : memref<16x160x125xi32, #tpu.memory_space<hbm>> -> memref<1x160x125xi32, #tpu.memory_space<hbm>>
    %dma_wait3A_142 = tpu.memref_squeeze %dma_wait3A_141 : memref<1x160x125xi32, #tpu.memory_space<hbm>> -> memref<160x125xi32, #tpu.memory_space<hbm>>
    %dma_wait3A_143 = arith.constant 0 : i32
    %dma_wait3A_144 = arith.constant 0 : i32
    %dma_wait3A_145 = tpu.memref_slice %arg4[%arg1, %dma_wait3A_143, %dma_wait3A_144] : memref<16x160x125xi32, #tpu.memory_space<hbm>> -> memref<1x160x125xi32, #tpu.memory_space<hbm>>
    %dma_wait3A_146 = tpu.memref_squeeze %dma_wait3A_145 : memref<1x160x125xi32, #tpu.memory_space<hbm>> -> memref<160x125xi32, #tpu.memory_space<hbm>>
    tpu.wait_dma2 semaphore(%arg22 : memref<!tpu.dma_semaphore, #tpu.memory_space<semaphore_mem>>) src(%dma_wait3A_146 : memref<160x125xi32, #tpu.memory_space<hbm>>) dst(%arg7 : memref<160x125xi32, #tpu.memory_space<vmem>>)
    %barrier3A = arith.constant 0 : index
    tpu.barrier barrier_id(%barrier3A)
    %dma_start3A_147 = arith.constant 0 : i32
    %dma_start3A_148 = arith.constant 0 : i32
    %dma_start3A_149 = tpu.memref_slice %arg7[%dma_start3A_147, %dma_start3A_148] : memref<160x125xi32, #tpu.memory_space<vmem>> -> memref<1x125xi32, #tpu.memory_space<vmem>>
    %dma_start3A_150 = tpu.memref_squeeze %dma_start3A_149 : memref<1x125xi32, #tpu.memory_space<vmem>> -> memref<125xi32, #tpu.memory_space<vmem>>
    %dma_start3A_151 = arith.constant 0 : i32
    %dma_start3A_152 = arith.constant 0 : i32
    %dma_start3A_153 = tpu.memref_slice %arg2[%arg0, %dma_start3A_151, %dma_start3A_152] : memref<2x10000x64xf32, #tpu.memory_space<hbm>> -> memref<1x10000x64xf32, #tpu.memory_space<hbm>>
    %dma_start3A_154 = tpu.memref_squeeze %dma_start3A_153 : memref<1x10000x64xf32, #tpu.memory_space<hbm>> -> memref<10000x64xf32, #tpu.memory_space<hbm>>
    %dma_start3A_155 = arith.constant 0 : i32
    %dma_start3A_156 = arith.constant 0 : i32
    %dma_start3A_157 = tpu.memref_slice %dma_start3A_154[%dma_start3A_155, %dma_start3A_156] : memref<10000x64xf32, #tpu.memory_space<hbm>> -> memref<10000x64xf32, #tpu.memory_space<hbm>>
    tpu.enqueue_indirect_dma source(%dma_start3A_157 : memref<10000x64xf32, #tpu.memory_space<hbm>>) target(%arg8 : memref<125x64xf32, #tpu.memory_space<vmem>>) offsets(%dma_start3A_150 : memref<125xi32, #tpu.memory_space<vmem>>) semaphore(%arg13 : memref<!tpu.dma_semaphore, #tpu.memory_space<semaphore_mem>>)
    %dma_start3A_158 = arith.constant 1 : i32
    %dma_start3A_159 = arith.constant 0 : i32
    %dma_start3A_160 = tpu.memref_slice %arg7[%dma_start3A_158, %dma_start3A_159] : memref<160x125xi32, #tpu.memory_space<vmem>> -> memref<1x125xi32, #tpu.memory_space<vmem>>
    %dma_start3A_161 = tpu.memref_squeeze %dma_start3A_160 : memref<1x125xi32, #tpu.memory_space<vmem>> -> memref<125xi32, #tpu.memory_space<vmem>>
    %dma_start3A_162 = arith.constant 0 : i32
    %dma_start3A_163 = arith.constant 0 : i32
    %dma_start3A_164 = tpu.memref_slice %arg2[%arg0, %dma_start3A_162, %dma_start3A_163] : memref<2x10000x64xf32, #tpu.memory_space<hbm>> -> memref<1x10000x64xf32, #tpu.memory_space<hbm>>
    %dma_start3A_165 = tpu.memref_squeeze %dma_start3A_164 : memref<1x10000x64xf32, #tpu.memory_space<hbm>> -> memref<10000x64xf32, #tpu.memory_space<hbm>>
    %dma_start3A_166 = arith.constant 0 : i32
    %dma_start3A_167 = arith.constant 0 : i32
    %dma_start3A_168 = tpu.memref_slice %dma_start3A_165[%dma_start3A_166, %dma_start3A_167] : memref<10000x64xf32, #tpu.memory_space<hbm>> -> memref<10000x64xf32, #tpu.memory_space<hbm>>
    tpu.enqueue_indirect_dma source(%dma_start3A_168 : memref<10000x64xf32, #tpu.memory_space<hbm>>) target(%arg9 : memref<125x64xf32, #tpu.memory_space<vmem>>) offsets(%dma_start3A_161 : memref<125xi32, #tpu.memory_space<vmem>>) semaphore(%arg14 : memref<!tpu.dma_semaphore, #tpu.memory_space<semaphore_mem>>)
    %dma_start3A_169 = arith.constant 2 : i32
    %dma_start3A_170 = arith.constant 0 : i32
    %dma_start3A_171 = tpu.memref_slice %arg7[%dma_start3A_169, %dma_start3A_170] : memref<160x125xi32, #tpu.memory_space<vmem>> -> memref<1x125xi32, #tpu.memory_space<vmem>>
    %dma_start3A_172 = tpu.memref_squeeze %dma_start3A_171 : memref<1x125xi32, #tpu.memory_space<vmem>> -> memref<125xi32, #tpu.memory_space<vmem>>
    %dma_start3A_173 = arith.constant 0 : i32
    %dma_start3A_174 = arith.constant 0 : i32
    %dma_start3A_175 = tpu.memref_slice %arg2[%arg0, %dma_start3A_173, %dma_start3A_174] : memref<2x10000x64xf32, #tpu.memory_space<hbm>> -> memref<1x10000x64xf32, #tpu.memory_space<hbm>>
    %dma_start3A_176 = tpu.memref_squeeze %dma_start3A_175 : memref<1x10000x64xf32, #tpu.memory_space<hbm>> -> memref<10000x64xf32, #tpu.memory_space<hbm>>
    %dma_start3A_177 = arith.constant 0 : i32
    %dma_start3A_178 = arith.constant 0 : i32
    %dma_start3A_179 = tpu.memref_slice %dma_start3A_176[%dma_start3A_177, %dma_start3A_178] : memref<10000x64xf32, #tpu.memory_space<hbm>> -> memref<10000x64xf32, #tpu.memory_space<hbm>>
    tpu.enqueue_indirect_dma source(%dma_start3A_179 : memref<10000x64xf32, #tpu.memory_space<hbm>>) target(%arg10 : memref<125x64xf32, #tpu.memory_space<vmem>>) offsets(%dma_start3A_172 : memref<125xi32, #tpu.memory_space<vmem>>) semaphore(%arg15 : memref<!tpu.dma_semaphore, #tpu.memory_space<semaphore_mem>>)
    %dma_start3A_180 = arith.constant 3 : i32
    %dma_start3A_181 = arith.constant 0 : i32
    %dma_start3A_182 = tpu.memref_slice %arg7[%dma_start3A_180, %dma_start3A_181] : memref<160x125xi32, #tpu.memory_space<vmem>> -> memref<1x125xi32, #tpu.memory_space<vmem>>
    %dma_start3A_183 = tpu.memref_squeeze %dma_start3A_182 : memref<1x125xi32, #tpu.memory_space<vmem>> -> memref<125xi32, #tpu.memory_space<vmem>>
    %dma_start3A_184 = arith.constant 0 : i32
    %dma_start3A_185 = arith.constant 0 : i32
    %dma_start3A_186 = tpu.memref_slice %arg2[%arg0, %dma_start3A_184, %dma_start3A_185] : memref<2x10000x64xf32, #tpu.memory_space<hbm>> -> memref<1x10000x64xf32, #tpu.memory_space<hbm>>
    %dma_start3A_187 = tpu.memref_squeeze %dma_start3A_186 : memref<1x10000x64xf32, #tpu.memory_space<hbm>> -> memref<10000x64xf32, #tpu.memory_space<hbm>>
    %dma_start3A_188 = arith.constant 0 : i32
    %dma_start3A_189 = arith.constant 0 : i32
    %dma_start3A_190 = tpu.memref_slice %dma_start3A_187[%dma_start3A_188, %dma_start3A_189] : memref<10000x64xf32, #tpu.memory_space<hbm>> -> memref<10000x64xf32, #tpu.memory_space<hbm>>
    tpu.enqueue_indirect_dma source(%dma_start3A_190 : memref<10000x64xf32, #tpu.memory_space<hbm>>) target(%arg11 : memref<125x64xf32, #tpu.memory_space<vmem>>) offsets(%dma_start3A_183 : memref<125xi32, #tpu.memory_space<vmem>>) semaphore(%arg16 : memref<!tpu.dma_semaphore, #tpu.memory_space<semaphore_mem>>)
    %scan3A_191 = arith.constant 0 : i32
    %scan3A_192 = arith.constant 0 : i32
    %scan3A_193 = arith.constant 40 : i32
    %scan3A_194 = arith.addi %scan3A_192, %scan3A_193 : i32
    %scan3A_195 = arith.constant 1 : i32
    scf.for %scan3A_233 = %scan3A_192 to %scan3A_194 step %scan3A_195  : i32 {
      %mul3A_234 = arith.constant 4 : i32
      %mul3A_235 = arith.muli %scan3A_233, %mul3A_234 : i32
      %add3A_236 = arith.constant 0 : i32
      %add3A_237 = arith.addi %mul3A_235, %add3A_236 : i32
      %dma_wait3A_238 = arith.constant 0 : i32
      %dma_wait3A_239 = tpu.memref_slice %arg7[%add3A_237, %dma_wait3A_238] : memref<160x125xi32, #tpu.memory_space<vmem>> -> memref<1x125xi32, #tpu.memory_space<vmem>>
      %dma_wait3A_240 = tpu.memref_squeeze %dma_wait3A_239 : memref<1x125xi32, #tpu.memory_space<vmem>> -> memref<125xi32, #tpu.memory_space<vmem>>
      %dma_wait3A_241 = arith.constant 0 : i32
      %dma_wait3A_242 = arith.constant 0 : i32
      %dma_wait3A_243 = tpu.memref_slice %arg2[%arg0, %dma_wait3A_241, %dma_wait3A_242] : memref<2x10000x64xf32, #tpu.memory_space<hbm>> -> memref<1x10000x64xf32, #tpu.memory_space<hbm>>
      %dma_wait3A_244 = tpu.memref_squeeze %dma_wait3A_243 : memref<1x10000x64xf32, #tpu.memory_space<hbm>> -> memref<10000x64xf32, #tpu.memory_space<hbm>>
      %dma_wait3A_245 = arith.constant 0 : i32
      %dma_wait3A_246 = arith.constant 0 : i32
      %dma_wait3A_247 = tpu.memref_slice %dma_wait3A_244[%dma_wait3A_245, %dma_wait3A_246] : memref<10000x64xf32, #tpu.memory_space<hbm>> -> memref<10000x64xf32, #tpu.memory_space<hbm>>
      tpu.wait_indirect_dma semaphore(%arg13 : memref<!tpu.dma_semaphore, #tpu.memory_space<semaphore_mem>>) src(%dma_wait3A_247 : memref<10000x64xf32, #tpu.memory_space<hbm>>) dst(%arg8 : memref<125x64xf32, #tpu.memory_space<vmem>>)
      %dma_start3A_248 = arith.constant 0 : i32
      %dma_start3A_249 = tpu.memref_slice %arg6[%add3A_237, %dma_start3A_248] : memref<160x125xi32, #tpu.memory_space<vmem>> -> memref<1x125xi32, #tpu.memory_space<vmem>>
      %dma_start3A_250 = tpu.memref_squeeze %dma_start3A_249 : memref<1x125xi32, #tpu.memory_space<vmem>> -> memref<125xi32, #tpu.memory_space<vmem>>
      %dma_start3A_251 = arith.constant 0 : i32
      %dma_start3A_252 = arith.constant 0 : i32
      %dma_start3A_253 = tpu.memref_slice %arg12[%dma_start3A_251, %dma_start3A_252] : memref<10000x64xf32, #tpu.memory_space<vmem_shared>> -> memref<10000x64xf32, #tpu.memory_space<vmem_shared>>
      tpu.enqueue_indirect_dma source(%arg8 : memref<125x64xf32, #tpu.memory_space<vmem>>) target(%dma_start3A_253 : memref<10000x64xf32, #tpu.memory_space<vmem_shared>>) offsets(%dma_start3A_250 : memref<125xi32, #tpu.memory_space<vmem>>) semaphore(%arg17 : memref<!tpu.dma_semaphore, #tpu.memory_space<semaphore_mem>>) {add = true}
      %add3A_254 = arith.constant 1 : i32
      %add3A_255 = arith.addi %mul3A_235, %add3A_254 : i32
      %dma_wait3A_256 = arith.constant 0 : i32
      %dma_wait3A_257 = tpu.memref_slice %arg7[%add3A_255, %dma_wait3A_256] : memref<160x125xi32, #tpu.memory_space<vmem>> -> memref<1x125xi32, #tpu.memory_space<vmem>>
      %dma_wait3A_258 = tpu.memref_squeeze %dma_wait3A_257 : memref<1x125xi32, #tpu.memory_space<vmem>> -> memref<125xi32, #tpu.memory_space<vmem>>
      %dma_wait3A_259 = arith.constant 0 : i32
      %dma_wait3A_260 = arith.constant 0 : i32
      %dma_wait3A_261 = tpu.memref_slice %arg2[%arg0, %dma_wait3A_259, %dma_wait3A_260] : memref<2x10000x64xf32, #tpu.memory_space<hbm>> -> memref<1x10000x64xf32, #tpu.memory_space<hbm>>
      %dma_wait3A_262 = tpu.memref_squeeze %dma_wait3A_261 : memref<1x10000x64xf32, #tpu.memory_space<hbm>> -> memref<10000x64xf32, #tpu.memory_space<hbm>>
      %dma_wait3A_263 = arith.constant 0 : i32
      %dma_wait3A_264 = arith.constant 0 : i32
      %dma_wait3A_265 = tpu.memref_slice %dma_wait3A_262[%dma_wait3A_263, %dma_wait3A_264] : memref<10000x64xf32, #tpu.memory_space<hbm>> -> memref<10000x64xf32, #tpu.memory_space<hbm>>
      tpu.wait_indirect_dma semaphore(%arg14 : memref<!tpu.dma_semaphore, #tpu.memory_space<semaphore_mem>>) src(%dma_wait3A_265 : memref<10000x64xf32, #tpu.memory_space<hbm>>) dst(%arg9 : memref<125x64xf32, #tpu.memory_space<vmem>>)
      %dma_start3A_266 = arith.constant 0 : i32
      %dma_start3A_267 = tpu.memref_slice %arg6[%add3A_255, %dma_start3A_266] : memref<160x125xi32, #tpu.memory_space<vmem>> -> memref<1x125xi32, #tpu.memory_space<vmem>>
      %dma_start3A_268 = tpu.memref_squeeze %dma_start3A_267 : memref<1x125xi32, #tpu.memory_space<vmem>> -> memref<125xi32, #tpu.memory_space<vmem>>
      %dma_start3A_269 = arith.constant 0 : i32
      %dma_start3A_270 = arith.constant 0 : i32
      %dma_start3A_271 = tpu.memref_slice %arg12[%dma_start3A_269, %dma_start3A_270] : memref<10000x64xf32, #tpu.memory_space<vmem_shared>> -> memref<10000x64xf32, #tpu.memory_space<vmem_shared>>
      tpu.enqueue_indirect_dma source(%arg9 : memref<125x64xf32, #tpu.memory_space<vmem>>) target(%dma_start3A_271 : memref<10000x64xf32, #tpu.memory_space<vmem_shared>>) offsets(%dma_start3A_268 : memref<125xi32, #tpu.memory_space<vmem>>) semaphore(%arg18 : memref<!tpu.dma_semaphore, #tpu.memory_space<semaphore_mem>>) {add = true}
      %add3A_272 = arith.constant 2 : i32
      %add3A_273 = arith.addi %mul3A_235, %add3A_272 : i32
      %dma_wait3A_274 = arith.constant 0 : i32
      %dma_wait3A_275 = tpu.memref_slice %arg7[%add3A_273, %dma_wait3A_274] : memref<160x125xi32, #tpu.memory_space<vmem>> -> memref<1x125xi32, #tpu.memory_space<vmem>>
      %dma_wait3A_276 = tpu.memref_squeeze %dma_wait3A_275 : memref<1x125xi32, #tpu.memory_space<vmem>> -> memref<125xi32, #tpu.memory_space<vmem>>
      %dma_wait3A_277 = arith.constant 0 : i32
      %dma_wait3A_278 = arith.constant 0 : i32
      %dma_wait3A_279 = tpu.memref_slice %arg2[%arg0, %dma_wait3A_277, %dma_wait3A_278] : memref<2x10000x64xf32, #tpu.memory_space<hbm>> -> memref<1x10000x64xf32, #tpu.memory_space<hbm>>
      %dma_wait3A_280 = tpu.memref_squeeze %dma_wait3A_279 : memref<1x10000x64xf32, #tpu.memory_space<hbm>> -> memref<10000x64xf32, #tpu.memory_space<hbm>>
      %dma_wait3A_281 = arith.constant 0 : i32
      %dma_wait3A_282 = arith.constant 0 : i32
      %dma_wait3A_283 = tpu.memref_slice %dma_wait3A_280[%dma_wait3A_281, %dma_wait3A_282] : memref<10000x64xf32, #tpu.memory_space<hbm>> -> memref<10000x64xf32, #tpu.memory_space<hbm>>
      tpu.wait_indirect_dma semaphore(%arg15 : memref<!tpu.dma_semaphore, #tpu.memory_space<semaphore_mem>>) src(%dma_wait3A_283 : memref<10000x64xf32, #tpu.memory_space<hbm>>) dst(%arg10 : memref<125x64xf32, #tpu.memory_space<vmem>>)
      %dma_start3A_284 = arith.constant 0 : i32
      %dma_start3A_285 = tpu.memref_slice %arg6[%add3A_273, %dma_start3A_284] : memref<160x125xi32, #tpu.memory_space<vmem>> -> memref<1x125xi32, #tpu.memory_space<vmem>>
      %dma_start3A_286 = tpu.memref_squeeze %dma_start3A_285 : memref<1x125xi32, #tpu.memory_space<vmem>> -> memref<125xi32, #tpu.memory_space<vmem>>
      %dma_start3A_287 = arith.constant 0 : i32
      %dma_start3A_288 = arith.constant 0 : i32
      %dma_start3A_289 = tpu.memref_slice %arg12[%dma_start3A_287, %dma_start3A_288] : memref<10000x64xf32, #tpu.memory_space<vmem_shared>> -> memref<10000x64xf32, #tpu.memory_space<vmem_shared>>
      tpu.enqueue_indirect_dma source(%arg10 : memref<125x64xf32, #tpu.memory_space<vmem>>) target(%dma_start3A_289 : memref<10000x64xf32, #tpu.memory_space<vmem_shared>>) offsets(%dma_start3A_286 : memref<125xi32, #tpu.memory_space<vmem>>) semaphore(%arg19 : memref<!tpu.dma_semaphore, #tpu.memory_space<semaphore_mem>>) {add = true}
      %add3A_290 = arith.constant 3 : i32
      %add3A_291 = arith.addi %mul3A_235, %add3A_290 : i32
      %dma_wait3A_292 = arith.constant 0 : i32
      %dma_wait3A_293 = tpu.memref_slice %arg7[%add3A_291, %dma_wait3A_292] : memref<160x125xi32, #tpu.memory_space<vmem>> -> memref<1x125xi32, #tpu.memory_space<vmem>>
      %dma_wait3A_294 = tpu.memref_squeeze %dma_wait3A_293 : memref<1x125xi32, #tpu.memory_space<vmem>> -> memref<125xi32, #tpu.memory_space<vmem>>
      %dma_wait3A_295 = arith.constant 0 : i32
      %dma_wait3A_296 = arith.constant 0 : i32
      %dma_wait3A_297 = tpu.memref_slice %arg2[%arg0, %dma_wait3A_295, %dma_wait3A_296] : memref<2x10000x64xf32, #tpu.memory_space<hbm>> -> memref<1x10000x64xf32, #tpu.memory_space<hbm>>
      %dma_wait3A_298 = tpu.memref_squeeze %dma_wait3A_297 : memref<1x10000x64xf32, #tpu.memory_space<hbm>> -> memref<10000x64xf32, #tpu.memory_space<hbm>>
      %dma_wait3A_299 = arith.constant 0 : i32
      %dma_wait3A_300 = arith.constant 0 : i32
      %dma_wait3A_301 = tpu.memref_slice %dma_wait3A_298[%dma_wait3A_299, %dma_wait3A_300] : memref<10000x64xf32, #tpu.memory_space<hbm>> -> memref<10000x64xf32, #tpu.memory_space<hbm>>
      tpu.wait_indirect_dma semaphore(%arg16 : memref<!tpu.dma_semaphore, #tpu.memory_space<semaphore_mem>>) src(%dma_wait3A_301 : memref<10000x64xf32, #tpu.memory_space<hbm>>) dst(%arg11 : memref<125x64xf32, #tpu.memory_space<vmem>>)
      %dma_start3A_302 = arith.constant 0 : i32
      %dma_start3A_303 = tpu.memref_slice %arg6[%add3A_291, %dma_start3A_302] : memref<160x125xi32, #tpu.memory_space<vmem>> -> memref<1x125xi32, #tpu.memory_space<vmem>>
      %dma_start3A_304 = tpu.memref_squeeze %dma_start3A_303 : memref<1x125xi32, #tpu.memory_space<vmem>> -> memref<125xi32, #tpu.memory_space<vmem>>
      %dma_start3A_305 = arith.constant 0 : i32
      %dma_start3A_306 = arith.constant 0 : i32
      %dma_start3A_307 = tpu.memref_slice %arg12[%dma_start3A_305, %dma_start3A_306] : memref<10000x64xf32, #tpu.memory_space<vmem_shared>> -> memref<10000x64xf32, #tpu.memory_space<vmem_shared>>
      tpu.enqueue_indirect_dma source(%arg11 : memref<125x64xf32, #tpu.memory_space<vmem>>) target(%dma_start3A_307 : memref<10000x64xf32, #tpu.memory_space<vmem_shared>>) offsets(%dma_start3A_304 : memref<125xi32, #tpu.memory_space<vmem>>) semaphore(%arg20 : memref<!tpu.dma_semaphore, #tpu.memory_space<semaphore_mem>>) {add = true}
      %add3A_308 = arith.constant 0 : i32
      %add3A_309 = arith.addi %mul3A_235, %add3A_308 : i32
      %add3A_310 = arith.constant 4 : i32
      %add3A_311 = arith.addi %add3A_309, %add3A_310 : i32
      %lt3A = arith.constant 160 : i32
      %lt3A_312 = arith.cmpi slt, %add3A_311, %lt3A : i32
      %convert_element_type3A_313 = arith.extui %lt3A_312 : i1 to i32
      %cond3A_314 = arith.constant 0 : i32
      %cond3A_315 = arith.cmpi ne, %convert_element_type3A_313, %cond3A_314 : i32
      scf.if %cond3A_315 {
        %dma_wait3A_343 = arith.constant 0 : i32
        %dma_wait3A_344 = tpu.memref_slice %arg6[%add3A_309, %dma_wait3A_343] : memref<160x125xi32, #tpu.memory_space<vmem>> -> memref<1x125xi32, #tpu.memory_space<vmem>>
        %dma_wait3A_345 = tpu.memref_squeeze %dma_wait3A_344 : memref<1x125xi32, #tpu.memory_space<vmem>> -> memref<125xi32, #tpu.memory_space<vmem>>
        %dma_wait3A_346 = arith.constant 0 : i32
        %dma_wait3A_347 = arith.constant 0 : i32
        %dma_wait3A_348 = tpu.memref_slice %arg12[%dma_wait3A_346, %dma_wait3A_347] : memref<10000x64xf32, #tpu.memory_space<vmem_shared>> -> memref<10000x64xf32, #tpu.memory_space<vmem_shared>>
        tpu.wait_indirect_dma semaphore(%arg17 : memref<!tpu.dma_semaphore, #tpu.memory_space<semaphore_mem>>) src(%arg8 : memref<125x64xf32, #tpu.memory_space<vmem>>) dst(%dma_wait3A_348 : memref<10000x64xf32, #tpu.memory_space<vmem_shared>>)
        %dma_start3A_349 = arith.constant 0 : i32
        %dma_start3A_350 = tpu.memref_slice %arg7[%add3A_311, %dma_start3A_349] : memref<160x125xi32, #tpu.memory_space<vmem>> -> memref<1x125xi32, #tpu.memory_space<vmem>>
        %dma_start3A_351 = tpu.memref_squeeze %dma_start3A_350 : memref<1x125xi32, #tpu.memory_space<vmem>> -> memref<125xi32, #tpu.memory_space<vmem>>
        %dma_start3A_352 = arith.constant 0 : i32
        %dma_start3A_353 = arith.constant 0 : i32
        %dma_start3A_354 = tpu.memref_slice %arg2[%arg0, %dma_start3A_352, %dma_start3A_353] : memref<2x10000x64xf32, #tpu.memory_space<hbm>> -> memref<1x10000x64xf32, #tpu.memory_space<hbm>>
        %dma_start3A_355 = tpu.memref_squeeze %dma_start3A_354 : memref<1x10000x64xf32, #tpu.memory_space<hbm>> -> memref<10000x64xf32, #tpu.memory_space<hbm>>
        %dma_start3A_356 = arith.constant 0 : i32
        %dma_start3A_357 = arith.constant 0 : i32
        %dma_start3A_358 = tpu.memref_slice %dma_start3A_355[%dma_start3A_356, %dma_start3A_357] : memref<10000x64xf32, #tpu.memory_space<hbm>> -> memref<10000x64xf32, #tpu.memory_space<hbm>>
        tpu.enqueue_indirect_dma source(%dma_start3A_358 : memref<10000x64xf32, #tpu.memory_space<hbm>>) target(%arg8 : memref<125x64xf32, #tpu.memory_space<vmem>>) offsets(%dma_start3A_351 : memref<125xi32, #tpu.memory_space<vmem>>) semaphore(%arg13 : memref<!tpu.dma_semaphore, #tpu.memory_space<semaphore_mem>>)
      } else {
      }
      %add3A_316 = arith.constant 1 : i32
      %add3A_317 = arith.addi %mul3A_235, %add3A_316 : i32
      %add3A_318 = arith.constant 4 : i32
      %add3A_319 = arith.addi %add3A_317, %add3A_318 : i32
      %lt3A_320 = arith.constant 160 : i32
      %lt3A_321 = arith.cmpi slt, %add3A_319, %lt3A_320 : i32
      %convert_element_type3A_322 = arith.extui %lt3A_321 : i1 to i32
      %cond3A_323 = arith.constant 0 : i32
      %cond3A_324 = arith.cmpi ne, %convert_element_type3A_322, %cond3A_323 : i32
      scf.if %cond3A_324 {
        %dma_wait3A_343 = arith.constant 0 : i32
        %dma_wait3A_344 = tpu.memref_slice %arg6[%add3A_317, %dma_wait3A_343] : memref<160x125xi32, #tpu.memory_space<vmem>> -> memref<1x125xi32, #tpu.memory_space<vmem>>
        %dma_wait3A_345 = tpu.memref_squeeze %dma_wait3A_344 : memref<1x125xi32, #tpu.memory_space<vmem>> -> memref<125xi32, #tpu.memory_space<vmem>>
        %dma_wait3A_346 = arith.constant 0 : i32
        %dma_wait3A_347 = arith.constant 0 : i32
        %dma_wait3A_348 = tpu.memref_slice %arg12[%dma_wait3A_346, %dma_wait3A_347] : memref<10000x64xf32, #tpu.memory_space<vmem_shared>> -> memref<10000x64xf32, #tpu.memory_space<vmem_shared>>
        tpu.wait_indirect_dma semaphore(%arg18 : memref<!tpu.dma_semaphore, #tpu.memory_space<semaphore_mem>>) src(%arg9 : memref<125x64xf32, #tpu.memory_space<vmem>>) dst(%dma_wait3A_348 : memref<10000x64xf32, #tpu.memory_space<vmem_shared>>)
        %dma_start3A_349 = arith.constant 0 : i32
        %dma_start3A_350 = tpu.memref_slice %arg7[%add3A_319, %dma_start3A_349] : memref<160x125xi32, #tpu.memory_space<vmem>> -> memref<1x125xi32, #tpu.memory_space<vmem>>
        %dma_start3A_351 = tpu.memref_squeeze %dma_start3A_350 : memref<1x125xi32, #tpu.memory_space<vmem>> -> memref<125xi32, #tpu.memory_space<vmem>>
        %dma_start3A_352 = arith.constant 0 : i32
        %dma_start3A_353 = arith.constant 0 : i32
        %dma_start3A_354 = tpu.memref_slice %arg2[%arg0, %dma_start3A_352, %dma_start3A_353] : memref<2x10000x64xf32, #tpu.memory_space<hbm>> -> memref<1x10000x64xf32, #tpu.memory_space<hbm>>
        %dma_start3A_355 = tpu.memref_squeeze %dma_start3A_354 : memref<1x10000x64xf32, #tpu.memory_space<hbm>> -> memref<10000x64xf32, #tpu.memory_space<hbm>>
        %dma_start3A_356 = arith.constant 0 : i32
        %dma_start3A_357 = arith.constant 0 : i32
        %dma_start3A_358 = tpu.memref_slice %dma_start3A_355[%dma_start3A_356, %dma_start3A_357] : memref<10000x64xf32, #tpu.memory_space<hbm>> -> memref<10000x64xf32, #tpu.memory_space<hbm>>
        tpu.enqueue_indirect_dma source(%dma_start3A_358 : memref<10000x64xf32, #tpu.memory_space<hbm>>) target(%arg9 : memref<125x64xf32, #tpu.memory_space<vmem>>) offsets(%dma_start3A_351 : memref<125xi32, #tpu.memory_space<vmem>>) semaphore(%arg14 : memref<!tpu.dma_semaphore, #tpu.memory_space<semaphore_mem>>)
      } else {
      }
      %add3A_325 = arith.constant 2 : i32
      %add3A_326 = arith.addi %mul3A_235, %add3A_325 : i32
      %add3A_327 = arith.constant 4 : i32
      %add3A_328 = arith.addi %add3A_326, %add3A_327 : i32
      %lt3A_329 = arith.constant 160 : i32
      %lt3A_330 = arith.cmpi slt, %add3A_328, %lt3A_329 : i32
      %convert_element_type3A_331 = arith.extui %lt3A_330 : i1 to i32
      %cond3A_332 = arith.constant 0 : i32
      %cond3A_333 = arith.cmpi ne, %convert_element_type3A_331, %cond3A_332 : i32
      scf.if %cond3A_333 {
        %dma_wait3A_343 = arith.constant 0 : i32
        %dma_wait3A_344 = tpu.memref_slice %arg6[%add3A_326, %dma_wait3A_343] : memref<160x125xi32, #tpu.memory_space<vmem>> -> memref<1x125xi32, #tpu.memory_space<vmem>>
        %dma_wait3A_345 = tpu.memref_squeeze %dma_wait3A_344 : memref<1x125xi32, #tpu.memory_space<vmem>> -> memref<125xi32, #tpu.memory_space<vmem>>
        %dma_wait3A_346 = arith.constant 0 : i32
        %dma_wait3A_347 = arith.constant 0 : i32
        %dma_wait3A_348 = tpu.memref_slice %arg12[%dma_wait3A_346, %dma_wait3A_347] : memref<10000x64xf32, #tpu.memory_space<vmem_shared>> -> memref<10000x64xf32, #tpu.memory_space<vmem_shared>>
        tpu.wait_indirect_dma semaphore(%arg19 : memref<!tpu.dma_semaphore, #tpu.memory_space<semaphore_mem>>) src(%arg10 : memref<125x64xf32, #tpu.memory_space<vmem>>) dst(%dma_wait3A_348 : memref<10000x64xf32, #tpu.memory_space<vmem_shared>>)
        %dma_start3A_349 = arith.constant 0 : i32
        %dma_start3A_350 = tpu.memref_slice %arg7[%add3A_328, %dma_start3A_349] : memref<160x125xi32, #tpu.memory_space<vmem>> -> memref<1x125xi32, #tpu.memory_space<vmem>>
        %dma_start3A_351 = tpu.memref_squeeze %dma_start3A_350 : memref<1x125xi32, #tpu.memory_space<vmem>> -> memref<125xi32, #tpu.memory_space<vmem>>
        %dma_start3A_352 = arith.constant 0 : i32
        %dma_start3A_353 = arith.constant 0 : i32
        %dma_start3A_354 = tpu.memref_slice %arg2[%arg0, %dma_start3A_352, %dma_start3A_353] : memref<2x10000x64xf32, #tpu.memory_space<hbm>> -> memref<1x10000x64xf32, #tpu.memory_space<hbm>>
        %dma_start3A_355 = tpu.memref_squeeze %dma_start3A_354 : memref<1x10000x64xf32, #tpu.memory_space<hbm>> -> memref<10000x64xf32, #tpu.memory_space<hbm>>
        %dma_start3A_356 = arith.constant 0 : i32
        %dma_start3A_357 = arith.constant 0 : i32
        %dma_start3A_358 = tpu.memref_slice %dma_start3A_355[%dma_start3A_356, %dma_start3A_357] : memref<10000x64xf32, #tpu.memory_space<hbm>> -> memref<10000x64xf32, #tpu.memory_space<hbm>>
        tpu.enqueue_indirect_dma source(%dma_start3A_358 : memref<10000x64xf32, #tpu.memory_space<hbm>>) target(%arg10 : memref<125x64xf32, #tpu.memory_space<vmem>>) offsets(%dma_start3A_351 : memref<125xi32, #tpu.memory_space<vmem>>) semaphore(%arg15 : memref<!tpu.dma_semaphore, #tpu.memory_space<semaphore_mem>>)
      } else {
      }
      %add3A_334 = arith.constant 3 : i32
      %add3A_335 = arith.addi %mul3A_235, %add3A_334 : i32
      %add3A_336 = arith.constant 4 : i32
      %add3A_337 = arith.addi %add3A_335, %add3A_336 : i32
      %lt3A_338 = arith.constant 160 : i32
      %lt3A_339 = arith.cmpi slt, %add3A_337, %lt3A_338 : i32
      %convert_element_type3A_340 = arith.extui %lt3A_339 : i1 to i32
      %cond3A_341 = arith.constant 0 : i32
      %cond3A_342 = arith.cmpi ne, %convert_element_type3A_340, %cond3A_341 : i32
      scf.if %cond3A_342 {
        %dma_wait3A_343 = arith.constant 0 : i32
        %dma_wait3A_344 = tpu.memref_slice %arg6[%add3A_335, %dma_wait3A_343] : memref<160x125xi32, #tpu.memory_space<vmem>> -> memref<1x125xi32, #tpu.memory_space<vmem>>
        %dma_wait3A_345 = tpu.memref_squeeze %dma_wait3A_344 : memref<1x125xi32, #tpu.memory_space<vmem>> -> memref<125xi32, #tpu.memory_space<vmem>>
        %dma_wait3A_346 = arith.constant 0 : i32
        %dma_wait3A_347 = arith.constant 0 : i32
        %dma_wait3A_348 = tpu.memref_slice %arg12[%dma_wait3A_346, %dma_wait3A_347] : memref<10000x64xf32, #tpu.memory_space<vmem_shared>> -> memref<10000x64xf32, #tpu.memory_space<vmem_shared>>
        tpu.wait_indirect_dma semaphore(%arg20 : memref<!tpu.dma_semaphore, #tpu.memory_space<semaphore_mem>>) src(%arg11 : memref<125x64xf32, #tpu.memory_space<vmem>>) dst(%dma_wait3A_348 : memref<10000x64xf32, #tpu.memory_space<vmem_shared>>)
        %dma_start3A_349 = arith.constant 0 : i32
        %dma_start3A_350 = tpu.memref_slice %arg7[%add3A_337, %dma_start3A_349] : memref<160x125xi32, #tpu.memory_space<vmem>> -> memref<1x125xi32, #tpu.memory_space<vmem>>
        %dma_start3A_351 = tpu.memref_squeeze %dma_start3A_350 : memref<1x125xi32, #tpu.memory_space<vmem>> -> memref<125xi32, #tpu.memory_space<vmem>>
        %dma_start3A_352 = arith.constant 0 : i32
        %dma_start3A_353 = arith.constant 0 : i32
        %dma_start3A_354 = tpu.memref_slice %arg2[%arg0, %dma_start3A_352, %dma_start3A_353] : memref<2x10000x64xf32, #tpu.memory_space<hbm>> -> memref<1x10000x64xf32, #tpu.memory_space<hbm>>
        %dma_start3A_355 = tpu.memref_squeeze %dma_start3A_354 : memref<1x10000x64xf32, #tpu.memory_space<hbm>> -> memref<10000x64xf32, #tpu.memory_space<hbm>>
        %dma_start3A_356 = arith.constant 0 : i32
        %dma_start3A_357 = arith.constant 0 : i32
        %dma_start3A_358 = tpu.memref_slice %dma_start3A_355[%dma_start3A_356, %dma_start3A_357] : memref<10000x64xf32, #tpu.memory_space<hbm>> -> memref<10000x64xf32, #tpu.memory_space<hbm>>
        tpu.enqueue_indirect_dma source(%dma_start3A_358 : memref<10000x64xf32, #tpu.memory_space<hbm>>) target(%arg11 : memref<125x64xf32, #tpu.memory_space<vmem>>) offsets(%dma_start3A_351 : memref<125xi32, #tpu.memory_space<vmem>>) semaphore(%arg16 : memref<!tpu.dma_semaphore, #tpu.memory_space<semaphore_mem>>)
      } else {
      }
    }
    %scan3A_196 = arith.constant 40 : i32
    %dma_wait3A_197 = arith.constant 156 : i32
    %dma_wait3A_198 = arith.constant 0 : i32
    %dma_wait3A_199 = tpu.memref_slice %arg6[%dma_wait3A_197, %dma_wait3A_198] : memref<160x125xi32, #tpu.memory_space<vmem>> -> memref<1x125xi32, #tpu.memory_space<vmem>>
    %dma_wait3A_200 = tpu.memref_squeeze %dma_wait3A_199 : memref<1x125xi32, #tpu.memory_space<vmem>> -> memref<125xi32, #tpu.memory_space<vmem>>
    %dma_wait3A_201 = arith.constant 0 : i32
    %dma_wait3A_202 = arith.constant 0 : i32
    %dma_wait3A_203 = tpu.memref_slice %arg12[%dma_wait3A_201, %dma_wait3A_202] : memref<10000x64xf32, #tpu.memory_space<vmem_shared>> -> memref<10000x64xf32, #tpu.memory_space<vmem_shared>>
    tpu.wait_indirect_dma semaphore(%arg17 : memref<!tpu.dma_semaphore, #tpu.memory_space<semaphore_mem>>) src(%arg8 : memref<125x64xf32, #tpu.memory_space<vmem>>) dst(%dma_wait3A_203 : memref<10000x64xf32, #tpu.memory_space<vmem_shared>>)
    %dma_wait3A_204 = arith.constant 157 : i32
    %dma_wait3A_205 = arith.constant 0 : i32
    %dma_wait3A_206 = tpu.memref_slice %arg6[%dma_wait3A_204, %dma_wait3A_205] : memref<160x125xi32, #tpu.memory_space<vmem>> -> memref<1x125xi32, #tpu.memory_space<vmem>>
    %dma_wait3A_207 = tpu.memref_squeeze %dma_wait3A_206 : memref<1x125xi32, #tpu.memory_space<vmem>> -> memref<125xi32, #tpu.memory_space<vmem>>
    %dma_wait3A_208 = arith.constant 0 : i32
    %dma_wait3A_209 = arith.constant 0 : i32
    %dma_wait3A_210 = tpu.memref_slice %arg12[%dma_wait3A_208, %dma_wait3A_209] : memref<10000x64xf32, #tpu.memory_space<vmem_shared>> -> memref<10000x64xf32, #tpu.memory_space<vmem_shared>>
    tpu.wait_indirect_dma semaphore(%arg18 : memref<!tpu.dma_semaphore, #tpu.memory_space<semaphore_mem>>) src(%arg9 : memref<125x64xf32, #tpu.memory_space<vmem>>) dst(%dma_wait3A_210 : memref<10000x64xf32, #tpu.memory_space<vmem_shared>>)
    %dma_wait3A_211 = arith.constant 158 : i32
    %dma_wait3A_212 = arith.constant 0 : i32
    %dma_wait3A_213 = tpu.memref_slice %arg6[%dma_wait3A_211, %dma_wait3A_212] : memref<160x125xi32, #tpu.memory_space<vmem>> -> memref<1x125xi32, #tpu.memory_space<vmem>>
    %dma_wait3A_214 = tpu.memref_squeeze %dma_wait3A_213 : memref<1x125xi32, #tpu.memory_space<vmem>> -> memref<125xi32, #tpu.memory_space<vmem>>
    %dma_wait3A_215 = arith.constant 0 : i32
    %dma_wait3A_216 = arith.constant 0 : i32
    %dma_wait3A_217 = tpu.memref_slice %arg12[%dma_wait3A_215, %dma_wait3A_216] : memref<10000x64xf32, #tpu.memory_space<vmem_shared>> -> memref<10000x64xf32, #tpu.memory_space<vmem_shared>>
    tpu.wait_indirect_dma semaphore(%arg19 : memref<!tpu.dma_semaphore, #tpu.memory_space<semaphore_mem>>) src(%arg10 : memref<125x64xf32, #tpu.memory_space<vmem>>) dst(%dma_wait3A_217 : memref<10000x64xf32, #tpu.memory_space<vmem_shared>>)
    %dma_wait3A_218 = arith.constant 159 : i32
    %dma_wait3A_219 = arith.constant 0 : i32
    %dma_wait3A_220 = tpu.memref_slice %arg6[%dma_wait3A_218, %dma_wait3A_219] : memref<160x125xi32, #tpu.memory_space<vmem>> -> memref<1x125xi32, #tpu.memory_space<vmem>>
    %dma_wait3A_221 = tpu.memref_squeeze %dma_wait3A_220 : memref<1x125xi32, #tpu.memory_space<vmem>> -> memref<125xi32, #tpu.memory_space<vmem>>
    %dma_wait3A_222 = arith.constant 0 : i32
    %dma_wait3A_223 = arith.constant 0 : i32
    %dma_wait3A_224 = tpu.memref_slice %arg12[%dma_wait3A_222, %dma_wait3A_223] : memref<10000x64xf32, #tpu.memory_space<vmem_shared>> -> memref<10000x64xf32, #tpu.memory_space<vmem_shared>>
    tpu.wait_indirect_dma semaphore(%arg20 : memref<!tpu.dma_semaphore, #tpu.memory_space<semaphore_mem>>) src(%arg11 : memref<125x64xf32, #tpu.memory_space<vmem>>) dst(%dma_wait3A_224 : memref<10000x64xf32, #tpu.memory_space<vmem_shared>>)
    %barrier3A_225 = arith.constant 0 : index
    tpu.barrier barrier_id(%barrier3A_225)
    %mul3A_226 = arith.constant 64 : i32
    %mul3A_227 = arith.muli %arg0, %mul3A_226 : i32
    "tpu.region"() ({
      %run_scoped3A = tpu.sem_alloc : memref<!tpu.dma_semaphore, #tpu.memory_space<semaphore_mem>>
      %dma_start3A_233 = tpu.memref_slice %arg5[%mul3A_0, %mul3A_227] : memref<10000x128xf32, #tpu.memory_space<hbm>> -> memref<624x64xf32, #tpu.memory_space<hbm>>
      %dma_start3A_234 = arith.constant 0 : i32
      %dma_start3A_235 = tpu.memref_slice %arg12[%mul3A_0, %dma_start3A_234] : memref<10000x64xf32, #tpu.memory_space<vmem_shared>> -> memref<624x64xf32, #tpu.memory_space<vmem_shared>>
      tpu.enqueue_dma source(%dma_start3A_235 : memref<624x64xf32, #tpu.memory_space<vmem_shared>>) target(%dma_start3A_233 : memref<624x64xf32, #tpu.memory_space<hbm>>) target_semaphore(%run_scoped3A : memref<!tpu.dma_semaphore, #tpu.memory_space<semaphore_mem>>)
      %dma_wait3A_236 = tpu.memref_slice %arg5[%mul3A_0, %mul3A_227] : memref<10000x128xf32, #tpu.memory_space<hbm>> -> memref<624x64xf32, #tpu.memory_space<hbm>>
      %dma_wait3A_237 = arith.constant 0 : i32
      %dma_wait3A_238 = tpu.memref_slice %arg12[%mul3A_0, %dma_wait3A_237] : memref<10000x64xf32, #tpu.memory_space<vmem_shared>> -> memref<624x64xf32, #tpu.memory_space<vmem_shared>>
      tpu.wait_dma2 semaphore(%run_scoped3A : memref<!tpu.dma_semaphore, #tpu.memory_space<semaphore_mem>>) src(%dma_wait3A_238 : memref<624x64xf32, #tpu.memory_space<vmem_shared>>) dst(%dma_wait3A_236 : memref<624x64xf32, #tpu.memory_space<hbm>>)
      tpu.yield
    }) : () -> ()
    %eq3A_228 = arith.constant 15 : i32
    %eq3A_229 = arith.cmpi eq, %arg1, %eq3A_228 : i32
    %convert_element_type3A_230 = arith.extui %eq3A_229 : i1 to i32
    %cond3A_231 = arith.constant 0 : i32
    %cond3A_232 = arith.cmpi ne, %convert_element_type3A_230, %cond3A_231 : i32
    scf.if %cond3A_232 {
      %mul3A_233 = arith.constant 64 : i32
      %mul3A_234 = arith.muli %arg0, %mul3A_233 : i32
      "tpu.region"() ({
        %run_scoped3A = tpu.sem_alloc : memref<!tpu.dma_semaphore, #tpu.memory_space<semaphore_mem>>
        %dma_start3A_235 = arith.constant 9984 : i32
        %dma_start3A_236 = tpu.memref_slice %arg5[%dma_start3A_235, %mul3A_234] : memref<10000x128xf32, #tpu.memory_space<hbm>> -> memref<16x64xf32, #tpu.memory_space<hbm>>
        %dma_start3A_237 = arith.constant 9984 : i32
        %dma_start3A_238 = arith.constant 0 : i32
        %dma_start3A_239 = tpu.memref_slice %arg12[%dma_start3A_237, %dma_start3A_238] : memref<10000x64xf32, #tpu.memory_space<vmem_shared>> -> memref<16x64xf32, #tpu.memory_space<vmem_shared>>
        tpu.enqueue_dma source(%dma_start3A_239 : memref<16x64xf32, #tpu.memory_space<vmem_shared>>) target(%dma_start3A_236 : memref<16x64xf32, #tpu.memory_space<hbm>>) target_semaphore(%run_scoped3A : memref<!tpu.dma_semaphore, #tpu.memory_space<semaphore_mem>>)
        %dma_wait3A_240 = arith.constant 9984 : i32
        %dma_wait3A_241 = tpu.memref_slice %arg5[%dma_wait3A_240, %mul3A_234] : memref<10000x128xf32, #tpu.memory_space<hbm>> -> memref<16x64xf32, #tpu.memory_space<hbm>>
        %dma_wait3A_242 = arith.constant 9984 : i32
        %dma_wait3A_243 = arith.constant 0 : i32
        %dma_wait3A_244 = tpu.memref_slice %arg12[%dma_wait3A_242, %dma_wait3A_243] : memref<10000x64xf32, #tpu.memory_space<vmem_shared>> -> memref<16x64xf32, #tpu.memory_space<vmem_shared>>
        tpu.wait_dma2 semaphore(%run_scoped3A : memref<!tpu.dma_semaphore, #tpu.memory_space<semaphore_mem>>) src(%dma_wait3A_244 : memref<16x64xf32, #tpu.memory_space<vmem_shared>>) dst(%dma_wait3A_241 : memref<16x64xf32, #tpu.memory_space<hbm>>)
        tpu.yield
      }) : () -> ()
    } else {
    }
    return
  }
}

module attributes {stable_mosaic.version = 14 : i64} {
  func.func @_mm_body(%arg0: i32, %arg1: memref<2000x128xf32, #tpu.memory_space<vmem>>, %arg2: memref<128x128xf32, #tpu.memory_space<vmem>>, %arg3: memref<2x2000x64xf32, #tpu.memory_space<vmem>>) attributes {dimension_semantics = [#tpu.dimension_semantics<arbitrary>], iteration_bounds = array<i64: 5>, scalar_prefetch = 0 : i64, scratch_operands = 0 : i64, tpu.core_type = #tpu.core_type<tc>, window_params = [{transform_indices = @transform_0, window_bounds = array<i64: 2000, 128>}, {pipeline_mode = #tpu.pipeline_mode<synchronous>, transform_indices = @transform_1, window_bounds = array<i64: 128, 128>}, {transform_indices = @transform_2, window_bounds = array<i64: 2, 2000, 64>}]} {
    %get3A = arith.constant 0 : index
    %get3A_0 = arith.constant 0 : index
    %get3A_1 = vector.load %arg1[%get3A, %get3A_0] : memref<2000x128xf32, #tpu.memory_space<vmem>>, vector<2000x128xf32>
    %get3A_2 = arith.constant 0 : index
    %get3A_3 = arith.constant 0 : index
    %get3A_4 = vector.load %arg2[%get3A_2, %get3A_3] : memref<128x128xf32, #tpu.memory_space<vmem>>, vector<64x128xf32>
    %dot_general3A = arith.constant dense<0.000000e+00> : vector<2000x64xf32>
    %dot_general3A_5 = tpu.matmul %get3A_1, %get3A_4, %dot_general3A {dimension_numbers = #tpu.dot_dimension_numbers<[1], [1], [0], [0], [0, 0, 1, 0], [], []>, transpose_lhs_hint = false} : vector<2000x128xf32>, vector<64x128xf32>, vector<2000x64xf32> -> vector<2000x64xf32>
    %swap3A = arith.constant 0 : index
    %swap3A_6 = arith.constant 0 : index
    %swap3A_7 = arith.constant 0 : index
    %swap3A_8 = vector.load %arg3[%swap3A, %swap3A_6, %swap3A_7] : memref<2x2000x64xf32, #tpu.memory_space<vmem>>, vector<1x2000x64xf32>
    %swap3A_9 = vector.shape_cast %swap3A_8 : vector<1x2000x64xf32> to vector<2000x64xf32>
    %swap3A_10 = vector.shape_cast %dot_general3A_5 : vector<2000x64xf32> to vector<1x2000x64xf32>
    tpu.vector_store %arg3[%swap3A, %swap3A_6, %swap3A_7], %swap3A_10 {strides = array<i32>} : memref<2x2000x64xf32, #tpu.memory_space<vmem>>, vector<1x2000x64xf32>,
    %get3A_11 = arith.constant 64 : index
    %get3A_12 = arith.constant 0 : index
    %get3A_13 = vector.load %arg2[%get3A_11, %get3A_12] : memref<128x128xf32, #tpu.memory_space<vmem>>, vector<64x128xf32>
    %dot_general3A_14 = arith.constant dense<0.000000e+00> : vector<2000x64xf32>
    %dot_general3A_15 = tpu.matmul %get3A_1, %get3A_13, %dot_general3A_14 {dimension_numbers = #tpu.dot_dimension_numbers<[1], [1], [0], [0], [0, 0, 1, 0], [], []>, transpose_lhs_hint = false} : vector<2000x128xf32>, vector<64x128xf32>, vector<2000x64xf32> -> vector<2000x64xf32>
    %swap3A_16 = arith.constant 1 : index
    %swap3A_17 = arith.constant 0 : index
    %swap3A_18 = arith.constant 0 : index
    %swap3A_19 = vector.load %arg3[%swap3A_16, %swap3A_17, %swap3A_18] : memref<2x2000x64xf32, #tpu.memory_space<vmem>>, vector<1x2000x64xf32>
    %swap3A_20 = vector.shape_cast %swap3A_19 : vector<1x2000x64xf32> to vector<2000x64xf32>
    %swap3A_21 = vector.shape_cast %dot_general3A_15 : vector<2000x64xf32> to vector<1x2000x64xf32>
    tpu.vector_store %arg3[%swap3A_16, %swap3A_17, %swap3A_18], %swap3A_21 {strides = array<i32>} : memref<2x2000x64xf32, #tpu.memory_space<vmem>>, vector<1x2000x64xf32>,
    return
  }
  func.func @transform_0(%arg0: i32) -> (i32, i32) {
    %c0_i32 = arith.constant 0 : i32
    %c0_i32_0 = arith.constant 0 : i32
    return %arg0, %c0_i32 : i32, i32
  }
  func.func @transform_1(%arg0: i32) -> (i32, i32) {
    %c0_i32 = arith.constant 0 : i32
    %c0_i32_0 = arith.constant 0 : i32
    %c0_i32_1 = arith.constant 0 : i32
    return %c0_i32, %c0_i32_0 : i32, i32
  }
  func.func @transform_2(%arg0: i32) -> (i32, i32, i32) {
    %c0_i32 = arith.constant 0 : i32
    %c0_i32_0 = arith.constant 0 : i32
    %c0_i32_1 = arith.constant 0 : i32
    return %c0_i32, %arg0, %c0_i32_0 : i32, i32, i32
  }
}

</mosaic_0001>

<sc_bundles>
// kernel: kernel.4.cloned.1.call-start
scs
__scs_entry_jumppad:
0x0: {  	(pc) =	sbr.rel $0x88, $3  }
0x1: {  	(tag) =	ssettag $0x0;
	lr =	simm.s32 $0x1  }
0x2: {  	[smem:$0x3F9E] =	sst lr;
	_ =	strace $0xD0000000  }
0x3: {  	_ = 	snop  }
0x4: {  	_ = 	snop  }
0x5: {  	_ = 	snop  }
0x6: {  	_ = 	snop  }
0x7: {  	_ = 	snop  }
__scs_overlays_trampoline_lowered:
0x8: {  	[smem:$0x3FAD] =	sst s0  }
0x9: {  	[smem:$0x3FAE] =	sst s1  }
0xa: {  	[smem:$0x3FAF] =	sst s2  }
0xb: {  	[smem:$0x3FB0] =	sst s3  }
0xc: {  	[smem:$0x3FB1] =	sst s4  }
0xd: {  	[smem:$0x3FB2] =	sst s5  }
0xe: {  	[smem:$0x3FB3] =	sst s6  }
0xf: {  	[smem:$0x3FB4] =	sst s7  }
0x10: {  	[smem:$0x3FB5] =	sst s8  }
0x11: {  	[smem:$0x3FB6] =	sst s9;
	s0 =	simm.s32 @!p0 $0x0  }
0x12: {  	s1 =	sld [smem:$0x3F9C];
	s0 =	simm.s32 @p0 $0x1  }
0x13: {  	[smem:$0x3FB7] =	sst s0;
	s0 =	simm.s32 @!p1 $0x0  }
0x14: {  	s2 =	sld [smem:$0x3F9B];
	s0 =	simm.s32 @p1 $0x1  }
0x15: {  	[smem:$0x3FB8] =	sst s0;
	s0 =	simm.s32 @!p2 $0x0  }
0x16: {  	s3 =	sld [smem:$0x3FDB];
	s0 =	simm.s32 @p2 $0x1  }
0x17: {  	s4 =	simm.s32 $0x1BF5;
	[smem:$0x3FBA] =	sst s0  }
0x18: {  	s0 =	sld [smem:$0x3F9D];
	_ =	swait.ge [sflag:s4], $0x0  }
0x19: {  	s7 =	sld [smem:$0x3F9E]  }
0x1a: {  	s8 =	sadd.s32 $0xFFFFE003, lr  }
0x1b: {  	s9 =	sadd.s32 $0xFFFFFEF7, lr;
	s5 =	simm.s32 $0xFFFFFFFF;
	p2 =	slt.u32 s8, $0xFFFFF086  }
0x1c: {  	p1 =	slt.u32 s9, $0xF7A;
	s5 =	simm.s32 @!p2 $0x0  }
0x1d: {  	s5 =	simm.s32 @p1 $0x1;
	p0 =	seq.s32 s7, s2  }
0x1e: {  	s7 =	smul.u32 @!p0 $0xF7A, s2;
	p2 =	seq.s32 @!p0 s5, $0x0  }
0x1f: {  	s9 =	smul.u32 $0xF7A, s1;
	s8 =	simm.s32 @!p0 $0x1BF5;
	p2 =	por !p2, p0  }
0x20: {  	[sflag:s8] =	ssyncset.s32 @!p0 $0xFFFFF086;
	s6 =	sadd.s32 @!p0 s3, s7;
	s7 =	simm.s32 @!p0 $0x108  }
0x21: {  	s3 =	sadd.s32 s3, s9;
	s6 =	sadd.s32 @!p0 $0x88, s6;
	s7 =	simm.s32 @p2 $0x1082  }
0x22: {  	[simem:s7], [sflag:s8] =	dma.local @!p0 [hbm:s6], $0xF7A  }
0x23: {  	s9 =	sor.u32 $0xD0000000, s2;
	s6 =	simm.s32 $0x108;
	_ =	swait.ge @!p0 [sflag:s8], $0x0  }
0x24: {  	s3 =	sadd.s32 $0x88, s3;
	s6 =	simm.s32 @!p1 $0x1082;
	[sflag:s4] =	ssyncset.s32 $0xFFFFF086  }
0x25: {  	[simem:s6], [sflag:s4] =	dma.local [hbm:s3], $0xF7A  }
0x26: {  	[smem:$0x3F9E] =	sst s1;
	(tag) =	ssettag s2;
	_ =	strace s9  }
0x27: {  	s1 =	sld [smem:$0x3FAE]  }
0x28: {  	s2 =	sld [smem:$0x3FAF]  }
0x29: {  	s4 =	sld [smem:$0x3FB1]  }
0x2a: {  	p0 =	seq.s32 s5, $0x0;
	s5 =	sld [smem:$0x3FB2]  }
0x2b: {  	s6 =	sld [smem:$0x3FB3]  }
0x2c: {  	s7 =	sld [smem:$0x3FB4]  }
0x2d: {  	s3 =	simm.s32 $0x108;
	s8 =	sld [smem:$0x3FB5]  }
0x2e: {  	s3 =	simm.s32 @!p0 $0x1082;
	s9 =	sld [smem:$0x3FB6]  }
0x2f: {  	lr =	sadd.s32 s0, s3;
	s0 =	sld [smem:$0x3FAD]  }
0x30: {  	s3 =	sld [smem:$0x3FB0]  }
0x31: {  	[smem:$0x3FB9] =	sst s10  }
0x32: {  	s10 =	sld [smem:$0x3FB7];
	_ =	sdelay $0x3  }
0x33: {  	p0 =	seq.s32 s10, $0x1;
	s10 =	sld [smem:$0x3FB9];
	_ =	sdelay $0x3  }
0x34: {  	[smem:$0x3FB9] =	sst s10  }
0x35: {  	s10 =	sld [smem:$0x3FB8];
	_ =	sdelay $0x3  }
0x36: {  	p1 =	seq.s32 s10, $0x1;
	s10 =	sld [smem:$0x3FB9];
	_ =	sdelay $0x3  }
0x37: {  	[smem:$0x3FB9] =	sst s10  }
0x38: {  	s10 =	sld [smem:$0x3FBA]  }
0x39: {  	_ = 	snop;
	(pc) =	sbr.ind lr, $3  }
0x3a: {  	_ = 	snop  }
0x3b: {  	_ = 	snop  }
0x3c: {  	p2 =	seq.s32 s10, $0x1;
	s10 =	sld [smem:$0x3FB9]  }
0x3d: {  	_ =	shalt  }
0x3e: {  	_ =	shalt  }
0x3f: {  	_ =	shalt  }
0x40: {  	_ =	shalt  }
0x41: {  	_ =	shalt  }
0x42: {  	_ =	shalt  }
0x43: {  	_ =	shalt  }
0x44: {  	_ =	shalt  }
0x45: {  	_ =	shalt  }
0x46: {  	_ =	shalt  }
0x47: {  	_ =	shalt  }
0x48: {  	_ =	shalt  }
0x49: {  	_ =	shalt  }
0x4a: {  	_ =	shalt  }
0x4b: {  	_ =	shalt  }
0x4c: {  	_ =	shalt  }
0x4d: {  	_ =	shalt  }
0x4e: {  	_ =	shalt  }
0x4f: {  	_ =	shalt  }
0x50: {  	_ =	shalt  }
0x51: {  	_ =	shalt  }
0x52: {  	_ =	shalt  }
0x53: {  	_ =	shalt  }
0x54: {  	_ =	shalt  }
0x55: {  	_ =	shalt  }
0x56: {  	_ =	shalt  }
0x57: {  	_ =	shalt  }
0x58: {  	_ =	shalt  }
0x59: {  	_ =	shalt  }
0x5a: {  	_ =	shalt  }
0x5b: {  	_ =	shalt  }
0x5c: {  	_ =	shalt  }
0x5d: {  	_ =	shalt  }
0x5e: {  	_ =	shalt  }
0x5f: {  	_ =	shalt  }
0x60: {  	_ =	shalt  }
0x61: {  	_ =	shalt  }
0x62: {  	_ =	shalt  }
0x63: {  	_ =	shalt  }
0x64: {  	_ =	shalt  }
0x65: {  	_ =	shalt  }
0x66: {  	_ =	shalt  }
0x67: {  	_ =	shalt  }
0x68: {  	_ =	shalt  }
0x69: {  	_ =	shalt  }
0x6a: {  	_ =	shalt  }
0x6b: {  	_ =	shalt  }
0x6c: {  	_ =	shalt  }
0x6d: {  	_ =	shalt  }
0x6e: {  	_ =	shalt  }
0x6f: {  	_ =	shalt  }
0x70: {  	_ =	shalt  }
0x71: {  	_ =	shalt  }
0x72: {  	_ =	shalt  }
0x73: {  	_ =	shalt  }
0x74: {  	_ =	shalt  }
0x75: {  	_ =	shalt  }
0x76: {  	_ =	shalt  }
0x77: {  	_ =	shalt  }
0x78: {  	_ =	shalt  }
0x79: {  	_ =	shalt  }
0x7a: {  	_ =	shalt  }
0x7b: {  	_ =	shalt  }
0x7c: {  	_ =	shalt  }
0x7d: {  	_ =	shalt  }
0x7e: {  	_ =	shalt  }
0x7f: {  	_ =	shalt  }
0x80: {  	_ =	shalt  }
0x81: {  	_ =	shalt  }
0x82: {  	_ =	shalt  }
0x83: {  	_ =	shalt  }
0x84: {  	_ =	shalt  }
0x85: {  	_ =	shalt  }
0x86: {  	_ =	shalt  }
0x87: {  	_ =	shalt  }
.Lfunc_end0:
.L_simem_size_0:
called_computation_lowered:
.L_overlay_start_0:
0x88: {  	s2 =	sld [smem:$0x3FD9]  }
0x89: {  	s3 =	sld [smem:$0x3FFE];
	_ =	sdelay $0x1  }
0x8a: {  	s1 =	srdreg.scid  }
0x8b: {  	s0 =	sand.u32 $0x1, s1  }
0x8c: {  	s17 =	sshll.u32 s0, $0xA;
	s2 =	sadd.s32 s3, s2  }
0x8d: {  	s2 =	sadd.s32 s2, s17  }
0x8e: {  	[smem:$0x3FC5] =	sst s2  }
0x8f: {  	_ = 	snop  }
0x90: {  	s2 =	sld [smem:$0x3FD0];
	(tm) =	ssettm $0x1  }
0x91: {  	s18 =	sld [smem:$0x3FFB];
	_ =	sdelay $0x3  }
0x92: {  	_ =	strace s18  }
0x93: {  	s3 =	sld [smem:$0x3FFC];
	_ =	sdelay $0x3  }
0x94: {  	_ =	strace s3  }
0x95: {  	s3 =	sld [smem:$0x3FFD];
	_ =	sdelay $0x3  }
0x96: {  	_ =	strace s3  }
0x97: {  	_ =	strace $0x8FFFFFFF  }
0x98: {  	s19 =	sld [smem:$0x3FDB];
	_ =	sdelay $0x1  }
0x99: {  	s4 =	simm.s32 $_scs_section_size  }
0x9a: {  	s5 =	simm.s32 $_size__tile_overlayer_lowered;
	s6 =	simm.s32 $_tile_overlayer_lowered  }
0x9b: {  	s22 =	simm.s32 $0x1BFF;
	s21 =	sshll.u32 s6, $0x1;
	s3 =	sadd.s32 s4, s19  }
0x9c: {  	s7 =	simm.s32 $0x0;
	s20 =	sshll.u32 s5, $0x1;
	s5 =	sadd.s32 s21, s3  }
0x9d: {  	[timem:s7], [sflag:s22] =	dma.local [hbm:s5], s20  }
0x9e: {  	_ =	swait.ge [sflag:s22], s20  }
0x9f: {  	s4 =	ssub.s32 $0x0, s20;
	[sflag:s22] =	ssyncset.done $0x0  }
0xa0: {  	[sflag:s22] =	ssyncadd.s32 s4;
	_ =	sdelay $0x1  }
0xa1: {  	s23 =	simm.s32 $0x1B8B  }
0xa2: {  	_ =	swait.ge [sflag:s23], $0x1  }
0xa3: {  	[sflag:s23] =	ssyncset.done $0x0  }
0xa4: {  	s25 =	simm.s32 $0x1B8E;
	s24 =	sld [smem:$0x3FFE];
	[sflag:s23] =	ssyncadd.s32 $0xFFFFFFFF  }
0xa5: {  	s26 =	simm.s32 $execute0_lowered;
	[smem:$0x3FD2] =	sst s25  }
0xa6: {  	s5 =	sshll.u32 s26, $0x1;
	_ =	strace $0x80000046;
	[dreg:$0x1] =	wrdreg $0xFFFFFFFF  }
0xa7: {  	s28 =	simm.s32 $_size_execute0_lowered;
	s3 =	sadd.s32 s3, s5;
	[dreg:$0x0] =	wrdreg $0x0  }
0xa8: {  	s5 =	sshll.u32 s28, $0x1;
	[dreg:$0x2] =	wrdreg s3  }
0xa9: {  	[dreg:$0x3] =	wrdreg s5  }
0xaa: {  	[dreg:$0x4] =	wrdreg $0xC0  }
0xab: {  	_ =	task [dreg:s7], $0x5FFFF  }
0xac: {  	[dreg:$0x1] =	wrdreg $0xFFFFFFFF  }
0xad: {  	[dreg:$0x0] =	wrdreg $0x60  }
0xae: {  	[dreg:$0x2] =	wrdreg s24  }
0xaf: {  	[dreg:$0x3] =	wrdreg s2  }
0xb0: {  	[dreg:$0x4] =	wrdreg $0x11D000  }
0xb1: {  	[dreg:$0x5] =	wrdreg $0x9  }
0xb2: {  	_ =	task.clear_ibuf [dreg:s7], $0x6FFFF;
	_ =	strace $0x90000046  }
0xb3: {  	s29 =	simm.s32 $0x9;
	_ =	strace $0x80000048  }
0xb4: {  	_ =	swait.ge [sflag:s29], $0x1  }
0xb5: {  	[sflag:s29] =	ssyncadd.s32 $0xFFFFFFFF  }
0xb6: {  	_ =	strace $0x90000048  }
0xb7: {  	_ =	sfence  }
0xb8: {  	s30 =	sld [smem:$0x0];
	_ =	sdelay $0x2  }
0xb9: {  	s31 =	sshll.u32 s1, $0xD;
	s1 =	sshrl.u32 s1, $0x2  }
0xba: {  	s3 =	sand.u32 $0x4000, s31;
	s1 =	sadd.s32 s1, s30  }
0xbb: {  	s0 =	sor.u32 s3, s0;
	s1 =	sshll.u32 s1, $0x11  }
0xbc: {  	s0 =	sor.u32 s1, s0  }
0xbd: {  	s0 =	sadd.s32 $0x8F2B, s0  }
0xbe: {  	[sflag:s0] =	ssyncadd.remote.s32 $0x1  }
0xbf: {  	_ =	sfence.sel $0xFFFF  }
0xc0: {  	[dreg:$0x0] =	wrdreg $0xFFFFFFFF;
	(pc) =	sbr.abs _section_cstart, $3  }
0xc1: {  	[dreg:$0x1] =	wrdreg $0xFFFFFFFF  }
0xc2: {  	_ =	task.clear_ibuf [dreg:s7], $0x2FFFF;
	_ =	strace $0x9FFFFFFF  }
0xc3: {  	(tm) =	ssettm $0x7FFFFFFF  }
tec
execute0_lowered:
.L_overlay_start_1:
0x0: {  	(tag) =	ssettag $0x1  }
0x1: {  	s0 =	rddreg [dreg:$0x0]  }
0x2: {  	s1 =	rddreg [dreg:$0x1];
	s3 =	srdreg.scid  }
0x3: {  	s2 =	rddreg [dreg:$0x2];
	s9 =	stileid.u32;
	s6 =	simm.s32 $0x0  }
0x4: {  	s16 =	simm.s32 $0x5000;
	s17 =	simm.s32 $0xA000;
	s18 =	simm.s32 $0x5  }
0x5: {  	s29 =	simm.s32 $0xDE80;
	s31 =	simm.s32 $0xFDC0;
	s5 =	smul.u32 $0xA00, s9  }
0x6: {  	s28 =	simm.s32 $0x4;
	s30 =	simm.s32 $0xB;
	s7 =	smul.u32 $0x27000, s9  }
0x7: {  	s3 =	sand.u32 $0x1, s3;
	[smem:$0x7FF] =	sst s6;
	s25 =	smul.u32 $0x13800, s9  }
0x8: {  	s11 =	sadd.s32 $0x9C000, s2;
	p0 =	sne.s32 s9, $0xF;
	s4 =	smul.u32 $0x13880, s3  }
0x9: {  	s19 =	ssub.s32 $0x2, s3;
	_ =	strace $0x80000047;
	s12 =	sshll.u32 s3, $0x6  }
0xa: {  	s3 =	sshll.u32 s3, $0x3;
	s8 =	sshrl.u32 s19, $0x1;
	s21 =	sshrl.u32 s7, $0x2  }
0xb: {  	s3 =	sadd.s32 s3, s1;
	s4 =	sadd.s32 s4, s0;
	s0 =	sadd.s32 s5, s0  }
0xc: {  	s20 =	ssub.s32 s19, s8;
	s6 =	sadd.s32 s21, s2;
	s14 =	sadd.s32 $0x27000, s3  }
0xd: {  	s19 =	simm.s32 $0x6;
	s21 =	simm.s32 $0x8;
	s22 =	sadd.s32 $0x27400, s0  }
0xe: {  	s3 =	simm.s32 $0x0;
	s0 =	sadd.s32 $0x31400, s0;
	[dreg:$0x4] =	wrdreg s22  }
0xf: {  	s23 =	sadd.s32 $0x1F40, s6;
	s24 =	sadd.s32 $0x3E80, s6;
	[dreg:$0x5] =	wrdreg s0  }
0x10: {  	s26 =	sadd.s32 $0x5DC0, s6;
	s10 =	sadd.s32 $0x7D00, s6;
	[dreg:$0x6] =	wrdreg s23  }
0x11: {  	s15 =	smax.u32 s20, $0x1;
	s20 =	simm.s32 $0x7;
	[dreg:$0x7] =	wrdreg s24  }
0x12: {  	[dreg:$0x8] =	wrdreg s26;
	s0 =	sor.u32 s12, s25;
	s12 =	sadd.s32 $0x200, s4  }
0x13: {  	s22 =	simm.s32 $0x9;
	s23 =	simm.s32 $0xA;
	s24 =	simm.s32 $0x7D  }
0x14: {  	s26 =	simm.s32 $0xBF40;
	s25 =	simm.s32 $0x3;
	s0 =	sshrl.u32 s0, $0x3  }
0x15: {  	v0 =	vimm.f32 $0.0e+00;
	s13 =	sadd.s32 s1, s0;
	s0 =	simm.s32 $0x1;
	s1 =	simm.s32 $0x2  }
.LBB2_1:
0x16: {  	s4 =	simm.s32 $0x0;
	s5 =	rddreg [dreg:$0x4]  }
0x17: {  	[tilespmem:s4], [sflag:$0x9] =	stream.linear.gather [hbm4b:s5+s4], $0x5000, $0x38;
	[tilespmem:$0x1B940] =	vst v63  }
0x18: {  	s9 =	rddreg [dreg:$0x5]  }
0x19: {  	[tilespmem:s16], [sflag:$0xA] =	stream.linear.gather [hbm4b:s9+s4], $0x5000, $0x38;
	[tilespmem:$0x1B940] =	vst v63  }
0x1a: {  	s5 =	simm.s32 $0x100;
	s4 =	simm.s32 $0x0  }
.LBB2_2:
0x1b: {  	p1 =	sne.s32 s5, $0x7C00;
	[tilespmem:s4+$0xA030] =	vst v0;
	s7 =	smov.u32 s5;
	s5 =	sadd.s32 $0x100, s5  }
.Ltmp0:
0x1c: {  	[tilespmem:s4+$0xA020] =	vst v0;
	(pc) =	sbr.rel @p1 .LBB2_2-.Ltmp0, $3  }
0x1d: {  	[tilespmem:s4+$0xA000] =	vst v0  }
0x1e: {  	[tilespmem:s4+$0xA010] =	vst v0;
	_ =	sdelay $0x1  }
0x1f: {  	s4 =	sshra.s32 s7, $0x2  }
0x20: {  	[tilespmem:s4+$0xA030] =	vst v0  }
0x21: {  	[tilespmem:s4+$0xA020] =	vst v0  }
0x22: {  	[tilespmem:s4+$0xA000] =	vst v0  }
0x23: {  	[tilespmem:s4+$0xA010] =	vst v0  }
0x24: {  	[spmem:s6] =	stream.linear.scatter [tilespmem:s17], [sflag:$0x5], $0x1F40, $0x38;
	[tilespmem:$0x1B940] =	vst v63  }
0x25: {  	s9 =	rddreg [dreg:$0x6]  }
0x26: {  	[spmem:s9] =	stream.linear.scatter [tilespmem:s17], [sflag:$0x6], $0x1F40, $0x38;
	[tilespmem:$0x1B940] =	vst v63  }
0x27: {  	s5 =	rddreg [dreg:$0x7]  }
0x28: {  	[spmem:s5] =	stream.linear.scatter [tilespmem:s17], [sflag:$0x7], $0x1F40, $0x38;
	[tilespmem:$0x1B940] =	vst v63  }
0x29: {  	s7 =	rddreg [dreg:$0x8]  }
0x2a: {  	[spmem:s7] =	stream.linear.scatter [tilespmem:s17], [sflag:$0x8], $0x1F40, $0x38;
	[tilespmem:$0x1B940] =	vst v63  }
0x2b: {  	_ = 	snop  }
0x2c: {  	[spmem:s10] =	stream.linear.scatter [tilespmem:s17], [sflag:$0x5], $0x1F00, $0x38;
	[tilespmem:$0x1B940] =	vst v63  }
0x2d: {  	s4 =	simm.s32 @!p0 $0xA000  }
0x2e: {  	[spmem:s11] =	stream.linear.scatter @!p0 [tilespmem:s4], [sflag:$0x5], $0x400, $0x38;
	[tilespmem:$0x1B940] =	vst v63  }
0x2f: {  	s4 =	simm.s32 @!p0 $0x5  }
0x30: {  	_ =	swait.ge @!p0 [sflag:s4], $0x400  }
0x31: {  	[sflag:s4] =	ssyncset.done @!p0 $0x0  }
0x32: {  	[sflag:s4] =	ssyncadd.s32 @!p0 $0xFFFFFC00  }
0x33: {  	_ =	swait.ge [sflag:s18], $0x1F40  }
0x34: {  	[sflag:s18] =	ssyncset.done $0x0  }
0x35: {  	[sflag:s18] =	ssyncadd.s32 $0xFFFFE0C0  }
0x36: {  	_ =	swait.ge [sflag:s19], $0x1F40  }
0x37: {  	[sflag:s19] =	ssyncset.done $0x0  }
0x38: {  	[sflag:s19] =	ssyncadd.s32 $0xFFFFE0C0  }
0x39: {  	_ =	swait.ge [sflag:s20], $0x1F40  }
0x3a: {  	[sflag:s20] =	ssyncset.done $0x0  }
0x3b: {  	[sflag:s20] =	ssyncadd.s32 $0xFFFFE0C0  }
0x3c: {  	_ =	swait.ge [sflag:s21], $0x1F40  }
0x3d: {  	[sflag:s21] =	ssyncset.done $0x0  }
0x3e: {  	[sflag:s21] =	ssyncadd.s32 $0xFFFFE0C0  }
0x3f: {  	_ =	swait.ge [sflag:s18], $0x1F00  }
0x40: {  	[sflag:s18] =	ssyncset.done $0x0  }
0x41: {  	[sflag:s18] =	ssyncadd.s32 $0xFFFFE100  }
0x42: {  	_ =	swait.ge [sflag:s22], $0x5000  }
0x43: {  	[sflag:s22] =	ssyncset.done $0x0  }
0x44: {  	[sflag:s22] =	ssyncadd.s32 $0xFFFFB000  }
0x45: {  	_ =	swait.ge [sflag:s23], $0x5000  }
0x46: {  	[sflag:s23] =	ssyncset.done $0x0  }
0x47: {  	[sflag:s23] =	ssyncadd.s32 $0xFFFFB000  }
0x48: {  	[bflag:$0x0] =	sbarrier.arrive $0xFFFF  }
0x49: {  	[tilespmem:s17], [sflag:$0x1] =	stream.indirect.gather [hbm4b:s12+s24], $0x40, s16, s24, $0xb8;
	[tilespmem:$0x1B940] =	vst v63  }
0x4a: {  	s8 =	simm.s32 $0x5080  }
0x4b: {  	[tilespmem:s26], [sflag:$0x2] =	stream.indirect.gather [hbm4b:s12+s24], $0x40, s8, s24, $0xb8;
	[tilespmem:$0x1B940] =	vst v63  }
0x4c: {  	s9 =	simm.s32 $0x5100  }
0x4d: {  	[tilespmem:s29], [sflag:$0x3] =	stream.indirect.gather [hbm4b:s12+s24], $0x40, s9, s24, $0xb8;
	[tilespmem:$0x1B940] =	vst v63  }
0x4e: {  	s5 =	simm.s32 $0x5180  }
0x4f: {  	[tilespmem:s31], [sflag:$0x4] =	stream.indirect.gather [hbm4b:s12+s24], $0x40, s5, s24, $0xb8;
	[tilespmem:$0x1B940] =	vst v63  }
0x50: {  	_ =	swait.ge [sflag:s0], $0x1F40  }
0x51: {  	[sflag:s0] =	ssyncset.done $0x0  }
0x52: {  	s7 =	simm.s32 $0x0;
	[sflag:s0] =	ssyncadd.s32 $0xFFFFE0C0  }
0x53: {  	[spmem:s2] =	stream.indirect.scatter.add.f32 [tilespmem:s17], [sflag:$0x5], $0x40, s7, s24, $0xb8;
	[tilespmem:$0x1B940] =	vst v63  }
0x54: {  	_ =	swait.ge [sflag:s1], $0x1F40  }
0x55: {  	[sflag:s1] =	ssyncset.done $0x0  }
0x56: {  	s8 =	simm.s32 $0x80;
	[sflag:s1] =	ssyncadd.s32 $0xFFFFE0C0  }
0x57: {  	[spmem:s2] =	stream.indirect.scatter.add.f32 [tilespmem:s26], [sflag:$0x6], $0x40, s8, s24, $0xb8;
	[tilespmem:$0x1B940] =	vst v63  }
0x58: {  	_ =	swait.ge [sflag:s25], $0x1F40  }
0x59: {  	[sflag:s25] =	ssyncset.done $0x0  }
0x5a: {  	s9 =	simm.s32 $0x100;
	[sflag:s25] =	ssyncadd.s32 $0xFFFFE0C0  }
0x5b: {  	[spmem:s2] =	stream.indirect.scatter.add.f32 [tilespmem:s29], [sflag:$0x7], $0x40, s9, s24, $0xb8;
	[tilespmem:$0x1B940] =	vst v63  }
0x5c: {  	_ =	swait.ge [sflag:s28], $0x1F40  }
0x5d: {  	[sflag:s28] =	ssyncset.done $0x0  }
0x5e: {  	s5 =	simm.s32 $0x180;
	[sflag:s28] =	ssyncadd.s32 $0xFFFFE0C0  }
0x5f: {  	[spmem:s2] =	stream.indirect.scatter.add.f32 [tilespmem:s31], [sflag:$0x8], $0x40, s5, s24, $0xb8;
	[tilespmem:$0x1B940] =	vst v63  }
0x60: {  	_ =	swait.ge [sflag:s18], $0x1F40  }
0x61: {  	[sflag:s18] =	ssyncset.done $0x0  }
0x62: {  	s7 =	simm.s32 $0x5200;
	[sflag:s18] =	ssyncadd.s32 $0xFFFFE0C0  }
0x63: {  	[tilespmem:s17], [sflag:$0x1] =	stream.indirect.gather [hbm4b:s12+s24], $0x40, s7, s24, $0xb8;
	[tilespmem:$0x1B940] =	vst v63  }
0x64: {  	_ =	swait.ge [sflag:s19], $0x1F40  }
0x65: {  	[sflag:s19] =	ssyncset.done $0x0  }
0x66: {  	s8 =	simm.s32 $0x5280;
	[sflag:s19] =	ssyncadd.s32 $0xFFFFE0C0  }
0x67: {  	[tilespmem:s26], [sflag:$0x2] =	stream.indirect.gather [hbm4b:s12+s24], $0x40, s8, s24, $0xb8;
	[tilespmem:$0x1B940] =	vst v63  }
0x68: {  	_ =	swait.ge [sflag:s20], $0x1F40  }
0x69: {  	[sflag:s20] =	ssyncset.done $0x0  }
0x6a: {  	s9 =	simm.s32 $0x5300;
	[sflag:s20] =	ssyncadd.s32 $0xFFFFE0C0  }
0x6b: {  	[tilespmem:s29], [sflag:$0x3] =	stream.indirect.gather [hbm4b:s12+s24], $0x40, s9, s24, $0xb8;
	[tilespmem:$0x1B940] =	vst v63  }
0x6c: {  	_ =	swait.ge [sflag:s21], $0x1F40  }
0x6d: {  	[sflag:s21] =	ssyncset.done $0x0  }
0x6e: {  	s4 =	simm.s32 $0x800;
	s5 =	simm.s32 $0x5380;
	[sflag:s21] =	ssyncadd.s32 $0xFFFFE0C0  }
.LBB2_4:
0x6f: {  	[tilespmem:s31], [sflag:$0x4] =	stream.indirect.gather [hbm4b:s12+s24], $0x40, s5, s24, $0xb8;
	[tilespmem:$0x1B940] =	vst v63  }
0x70: {  	s5 =	smov.u32 s4  }
0x71: {  	p1 =	sne.s32 s4, $0x13000;
	s4 =	sadd.s32 $0x800, s4;
	_ =	swait.ge [sflag:s0], $0x1F40  }
0x72: {  	[sflag:s0] =	ssyncset.done $0x0  }
0x73: {  	s5 =	sshra.s32 s5, $0x2;
	[sflag:s0] =	ssyncadd.s32 $0xFFFFE0C0  }
0x74: {  	[spmem:s2] =	stream.indirect.scatter.add.f32 [tilespmem:s17], [sflag:$0x5], $0x40, s5, s24, $0xb8;
	[tilespmem:$0x1B940] =	vst v63  }
0x75: {  	_ =	swait.ge [sflag:s1], $0x1F40  }
0x76: {  	[sflag:s1] =	ssyncset.done $0x0  }
0x77: {  	s7 =	sadd.s32 $0x80, s5;
	[sflag:s1] =	ssyncadd.s32 $0xFFFFE0C0  }
0x78: {  	[spmem:s2] =	stream.indirect.scatter.add.f32 [tilespmem:s26], [sflag:$0x6], $0x40, s7, s24, $0xb8;
	[tilespmem:$0x1B940] =	vst v63  }
0x79: {  	_ =	swait.ge [sflag:s25], $0x1F40  }
0x7a: {  	[sflag:s25] =	ssyncset.done $0x0  }
0x7b: {  	s7 =	sadd.s32 $0x100, s5;
	[sflag:s25] =	ssyncadd.s32 $0xFFFFE0C0  }
0x7c: {  	[spmem:s2] =	stream.indirect.scatter.add.f32 [tilespmem:s29], [sflag:$0x7], $0x40, s7, s24, $0xb8;
	[tilespmem:$0x1B940] =	vst v63  }
0x7d: {  	_ =	swait.ge [sflag:s28], $0x1F40  }
0x7e: {  	[sflag:s28] =	ssyncset.done $0x0  }
0x7f: {  	s7 =	sadd.s32 $0x180, s5;
	[sflag:s28] =	ssyncadd.s32 $0xFFFFE0C0  }
0x80: {  	[spmem:s2] =	stream.indirect.scatter.add.f32 [tilespmem:s31], [sflag:$0x8], $0x40, s7, s24, $0xb8;
	[tilespmem:$0x1B940] =	vst v63  }
0x81: {  	_ =	swait.ge [sflag:s18], $0x1F40  }
0x82: {  	[sflag:s18] =	ssyncset.done $0x0  }
0x83: {  	s7 =	sadd.s32 $0x5200, s5;
	[sflag:s18] =	ssyncadd.s32 $0xFFFFE0C0  }
0x84: {  	[tilespmem:s17], [sflag:$0x1] =	stream.indirect.gather [hbm4b:s12+s24], $0x40, s7, s24, $0xb8;
	[tilespmem:$0x1B940] =	vst v63  }
0x85: {  	_ =	swait.ge [sflag:s19], $0x1F40  }
0x86: {  	[sflag:s19] =	ssyncset.done $0x0  }
0x87: {  	s7 =	sadd.s32 $0x5280, s5;
	[sflag:s19] =	ssyncadd.s32 $0xFFFFE0C0  }
0x88: {  	[tilespmem:s26], [sflag:$0x2] =	stream.indirect.gather [hbm4b:s12+s24], $0x40, s7, s24, $0xb8;
	[tilespmem:$0x1B940] =	vst v63  }
0x89: {  	_ =	swait.ge [sflag:s20], $0x1F40  }
0x8a: {  	[sflag:s20] =	ssyncset.done $0x0  }
.Ltmp1:
0x8b: {  	s7 =	sadd.s32 $0x5300, s5;
	[sflag:s20] =	ssyncadd.s32 $0xFFFFE0C0;
	(pc) =	sbr.rel @p1 .LBB2_4-.Ltmp1, $4  }
0x8c: {  	[tilespmem:s29], [sflag:$0x3] =	stream.indirect.gather [hbm4b:s12+s24], $0x40, s7, s24, $0xb8;
	[tilespmem:$0x1B940] =	vst v63  }
0x8d: {  	_ =	swait.ge [sflag:s21], $0x1F40  }
0x8e: {  	[sflag:s21] =	ssyncset.done $0x0  }
0x8f: {  	s5 =	sadd.s32 $0x5380, s5;
	[sflag:s21] =	ssyncadd.s32 $0xFFFFE0C0  }
0x90: {  	[tilespmem:s31], [sflag:$0x4] =	stream.indirect.gather [hbm4b:s12+s24], $0x40, s5, s24, $0xb8;
	[tilespmem:$0x1B940] =	vst v63  }
0x91: {  	_ =	swait.ge [sflag:s0], $0x1F40  }
0x92: {  	[sflag:s0] =	ssyncset.done $0x0  }
0x93: {  	s4 =	simm.s32 $0x4E00;
	[sflag:s0] =	ssyncadd.s32 $0xFFFFE0C0  }
0x94: {  	[spmem:s2] =	stream.indirect.scatter.add.f32 [tilespmem:s17], [sflag:$0x5], $0x40, s4, s24, $0xb8;
	[tilespmem:$0x1B940] =	vst v63  }
0x95: {  	_ =	swait.ge [sflag:s1], $0x1F40  }
0x96: {  	[sflag:s1] =	ssyncset.done $0x0  }
0x97: {  	s9 =	simm.s32 $0x4E80;
	[sflag:s1] =	ssyncadd.s32 $0xFFFFE0C0  }
0x98: {  	[spmem:s2] =	stream.indirect.scatter.add.f32 [tilespmem:s26], [sflag:$0x6], $0x40, s9, s24, $0xb8;
	[tilespmem:$0x1B940] =	vst v63  }
0x99: {  	_ =	swait.ge [sflag:s25], $0x1F40  }
0x9a: {  	[sflag:s25] =	ssyncset.done $0x0  }
0x9b: {  	s5 =	simm.s32 $0x4F00;
	[sflag:s25] =	ssyncadd.s32 $0xFFFFE0C0  }
0x9c: {  	[spmem:s2] =	stream.indirect.scatter.add.f32 [tilespmem:s29], [sflag:$0x7], $0x40, s5, s24, $0xb8;
	[tilespmem:$0x1B940] =	vst v63  }
0x9d: {  	_ =	swait.ge [sflag:s28], $0x1F40  }
0x9e: {  	[sflag:s28] =	ssyncset.done $0x0  }
0x9f: {  	s7 =	simm.s32 $0x4F80;
	[sflag:s28] =	ssyncadd.s32 $0xFFFFE0C0  }
0xa0: {  	[spmem:s2] =	stream.indirect.scatter.add.f32 [tilespmem:s31], [sflag:$0x8], $0x40, s7, s24, $0xb8;
	[tilespmem:$0x1B940] =	vst v63  }
0xa1: {  	_ =	swait.ge [sflag:s18], $0x1F40  }
0xa2: {  	[sflag:s18] =	ssyncset.done $0x0  }
0xa3: {  	[sflag:s18] =	ssyncadd.s32 $0xFFFFE0C0  }
0xa4: {  	_ =	swait.ge [sflag:s19], $0x1F40  }
0xa5: {  	[sflag:s19] =	ssyncset.done $0x0  }
0xa6: {  	[sflag:s19] =	ssyncadd.s32 $0xFFFFE0C0  }
0xa7: {  	_ =	swait.ge [sflag:s20], $0x1F40  }
0xa8: {  	[sflag:s20] =	ssyncset.done $0x0  }
0xa9: {  	[sflag:s20] =	ssyncadd.s32 $0xFFFFE0C0  }
0xaa: {  	s8 =	stileid.u32;
	_ =	swait.ge [sflag:s21], $0x1F40  }
0xab: {  	s4 =	sshll.u32 s8, $0x6;
	[sflag:s21] =	ssyncset.done $0x0  }
0xac: {  	s3 =	sadd.s32 $0x1, s3;
	s4 =	sor.u32 $0x1C0B, s4;
	[sflag:s21] =	ssyncadd.s32 $0xFFFFE0C0  }
0xad: {  	s9 =	sshrl.u32 s6, $0x3;
	s7 =	simm.s32 $0x10;
	[bflag:$0x0] =	sbarrier.arrive $0xFFFF  }
0xae: {  	[hbm:s13@s7], [sflag:s4] =	dma.strided [spmem:s9@s21], $0x1380, s0, $0x8   }
0xaf: {  	p1 =	sne.s32 s3, s15;
	_ =	swait.ge [sflag:s30], $0x1380  }
0xb0: {  	s8 =	simm.s32 @!p0 $0x10;
	s5 =	sshrl.u32 @!p0 s11, $0x3;
	[sflag:s30] =	ssyncset.done $0x0  }
0xb1: {  	s7 =	simm.s32 @!p0 $0x1;
	s9 =	simm.s32 @!p0 $0x8;
	[sflag:s30] =	ssyncadd.s32 $0xFFFFEC80  }
0xb2: {  	[hbm:s14@s8], [sflag:s4] =	dma.strided @!p0 [spmem:s5@s9], $0x80, s7, $0x8   }
.Ltmp2:
0xb3: {  	_ = 	snop;
	(pc) =	sbr.rel @p1 .LBB2_1-.Ltmp2, $4  }
0xb4: {  	s4 =	simm.s32 @!p0 $0xB  }
0xb5: {  	_ =	swait.ge @!p0 [sflag:s4], $0x80  }
0xb6: {  	[sflag:s4] =	ssyncset.done @!p0 $0x0  }
0xb7: {  	[sflag:s4] =	ssyncadd.s32 @!p0 $0xFFFFFF80  }
0xb8: {  	_ =	sfence.sel $0x180000  }
0xb9: {  	[bflag:$0x0] =	sbarrier.arrive $0xFFFF  }
0xba: {  	_ =	strace $0x90000047  }
0xbb: {  	s0 =	stileid.u32;
	[bflag:$0x2] =	sbarrier.arrive $0xFFFF  }
0xbc: {  	p0 =	sne.s32 s0, $0x0;
	s0 =	rddreg [dreg:$0x3]  }
0xbd: {  	s0 =	sadd.s32 @!p0 $0x100000, s0  }
0xbe: {  	[sflag:s0] =	ssyncadd.tile.s32 @!p0 $0x1;
	_ =	shalt  }
.Lfunc_end2:
_tile_overlayer_lowered:
.L_overlay_start_2:
0xbf: {  	(tag) =	ssettag $0x2  }
0xc0: {  	s0 =	rddreg [dreg:$0x0];
	s2 =	stileid.u32  }
0xc1: {  	s1 =	rddreg [dreg:$0x1];
	p0 =	sne.s32 s2, $0x0  }
0xc2: {  	s3 =	rddreg [dreg:$0x2];
	[bflag:$0x3] =	sbarrier.arrive $0xFFFF;
	s2 =	simm.s32 @!p0 $0x1C0B  }
0xc3: {  	[timem:s3], [sflag:s2] =	dma.local @!p0 [hbm:s0], s1  }
0xc4: {  	s0 =	simm.s32 @!p0 $0xB  }
0xc5: {  	_ =	swait.ge @!p0 [sflag:s0], s1  }
0xc6: {  	s1 =	ssub.s32 @!p0 $0x0, s1;
	[sflag:s0] =	ssyncset.done @!p0 $0x0  }
0xc7: {  	[sflag:s0] =	ssyncadd.s32 @!p0 s1  }
0xc8: {  	[bflag:$0x3] =	sbarrier.arrive $0xFFFF  }
0xc9: {  	_ =	shalt  }

</sc_bundles>
